<compile_context>
chip_gen: v7x
topology: tpu7x:2x2x1
jax: 0.10.2.dev20260603
libtpu: 0.0.44.dev20260713+nightly
codegen_flags: <defaults>
</compile_context>

<pallas_src>
import functools
import math

import jax
import jax.numpy as jnp
from jax import lax
from jax.experimental import pallas as pl
from jax.experimental.pallas import tpu as pltpu
from jax.experimental.pallas import tpu_sc as plsc

_K = 10
_GROUPS = 4
_EPS = 1e-5
_GELU_C = math.sqrt(2.0 / math.pi)
_SC_ROWS = 1280
_NWORKERS = 32


def _gelu(x):
    return 0.5 * x * (1.0 + jnp.tanh(_GELU_C * (x + 0.044715 * x ** 3)))


def _dot(a, b, precision=lax.Precision.DEFAULT):
    return lax.dot_general(a, b, (((1,), (0,)), ((), ())),
                           preferred_element_type=jnp.float32,
                           precision=precision)


def _dotb(a, b):
    return lax.dot_general(a.astype(jnp.bfloat16), b.astype(jnp.bfloat16),
                           (((1,), (0,)), ((), ())),
                           preferred_element_type=jnp.float32)


def _gn_gelu(h, gamma, beta):
    C, N = h.shape
    gs = C // _GROUPS
    outs = []
    for g in range(_GROUPS):
        seg = lax.slice(h, (g * gs, 0), ((g + 1) * gs, N))
        mu = jnp.mean(seg)
        cen = seg - mu
        var = jnp.mean(cen * cen)
        outs.append(cen * lax.rsqrt(var + _EPS))
    hn = jnp.concatenate(outs, axis=0)
    return _gelu(hn * gamma + beta)



def _nbr_sum_tc(xt3, coords, n, row_lo, r):
    xx = jnp.sum(xt3 * xt3, axis=1, keepdims=True)
    accs = []
    for t in range((n - row_lo) // r):
        lo = row_lo + t * r
        cr = lax.slice(coords, (0, lo), (3, lo + r))
        xxr = jnp.sum(cr * cr, axis=0, keepdims=True)
        inner = jnp.float32(-2.0) * _dot(xt3, cr)
        key = (-xxr) - inner - xx

        def body(i, carry):
            key, acc = carry
            m = jnp.max(key, axis=0, keepdims=True)
            eq = key == m
            oh = jnp.where(eq, jnp.float32(1.0), jnp.float32(0.0))
            acc = acc + _dot(coords, oh)
            key = jnp.where(eq, jnp.float32(-3e38), key)
            return key, acc

        _, acc = lax.fori_loop(0, _K, body,
                               (key, jnp.zeros((3, r), jnp.float32)))
        accs.append(acc)
    return jnp.concatenate(accs, axis=1)


def _tc_knn_kernel(xt_ref, x_ref, out_ref, *, n, row_lo, r):
    xt = xt_ref[0]
    x6 = x_ref[0]
    for h in range(2):
        xt3 = lax.slice(xt, (0, 3 * h), (n, 3 * h + 3))
        c3 = lax.slice(x6, (3 * h, 0), (3 * h + 3, n))
        out_ref[0, h] = _nbr_sum_tc(xt3, c3, n, row_lo, r)



def _sc_knn(xs, n):
    ns = _SC_ROWS
    nrw = ns * 16 // _NWORKERS
    nchunks = n // 16
    mesh = plsc.VectorSubcoreMesh(core_axis_name="c", subcore_axis_name="s")

    @functools.partial(
        pl.kernel, mesh=mesh,
        compiler_params=pltpu.CompilerParams(needs_layout_passes=False),
        out_type=jax.ShapeDtypeStruct((16 * 3 * ns,), jnp.float32),
        scratch_types=[
            pltpu.VMEM((n,), jnp.float32),
            pltpu.VMEM((n,), jnp.float32),
            pltpu.VMEM((n,), jnp.float32),
            pltpu.VMEM((n,), jnp.float32),
            pltpu.VMEM((n,), jnp.float32),
            pltpu.VMEM((n,), jnp.float32),
            pltpu.VMEM((n,), jnp.float32),
            pltpu.VMEM((nrw,), jnp.float32),
            pltpu.VMEM((nrw,), jnp.float32),
            pltpu.VMEM((nrw,), jnp.float32),
        ],
    )
    def k(xs_hbm, out_hbm, ce0, ce1, ce2, cb0, cb1, cb2, xxv, o0, o1, o2):
        wid = lax.axis_index("s") * 2 + lax.axis_index("c")
        bh = wid // 2
        sub = wid % 2
        row0 = sub * nrw
        pltpu.sync_copy(xs_hbm.at[pl.ds((bh * 3 + 0) * n, n)], ce0)
        pltpu.sync_copy(xs_hbm.at[pl.ds((bh * 3 + 1) * n, n)], ce1)
        pltpu.sync_copy(xs_hbm.at[pl.ds((bh * 3 + 2) * n, n)], ce2)

        def rnbf16(v):
            bits = plsc.bitcast(v, jnp.uint32)
            r = bits + jnp.uint32(0x7FFF) + ((bits >> 16) & jnp.uint32(1))
            return plsc.bitcast(r & jnp.uint32(0xFFFF0000), jnp.float32)

        def pre(i, _):
            ds = pl.ds(i * 16, 16)
            v0 = ce0[ds]
            v1 = ce1[ds]
            v2 = ce2[ds]
            cb0[ds] = rnbf16(v0)
            cb1[ds] = rnbf16(v1)
            cb2[ds] = rnbf16(v2)
            xxv[ds] = v0 * v0 + v1 * v1 + v2 * v2
            return 0

        lax.fori_loop(0, nchunks, pre, 0)

        lanes = lax.broadcasted_iota(jnp.int32, (16,), 0)
        kmask = lanes < _K
        zero = jnp.float32(0.0)

        neg = jnp.full((16,), -3e38, jnp.float32)
        zi = jnp.zeros((16,), jnp.int32)

        def group_body(g, _):
            def row_body(j, res):
                res0, res1, res2 = res
                base = row0 + g * 16 + 4 * j
                rows = []
                for i in range(4):
                    rr = jnp.full((16,), base + i, jnp.int32)
                    rows.append((plsc.load_gather(cb0, [rr]),
                                 plsc.load_gather(cb1, [rr]),
                                 plsc.load_gather(cb2, [rr]),
                                 -plsc.load_gather(xxv, [rr])))

                def merge16(vals, idxs, key, cols):
                    sk, si = plsc.sort_key_val(key, cols, descending=True)
                    rk = lax.rev(sk, (0,))
                    ri = lax.rev(si, (0,))
                    take = vals >= rk
                    nv = jnp.where(take, vals, rk)
                    ni = jnp.where(take, idxs, ri)
                    nv, ni = plsc.sort_key_val(nv, ni, descending=True)
                    return nv, ni

                def chunk_body(cc, carry):
                    ds = pl.ds(cc * 16, 16)
                    c0 = cb0[ds]
                    c1 = cb1[ds]
                    c2 = cb2[ds]
                    xc = xxv[ds]
                    cols = lanes + cc * 16
                    out = []
                    for i in range(4):
                        vx0, vx1, vx2, nxx = rows[i]
                        key = nxx - jnp.float32(-2.0) * (
                            vx0 * c0 + vx1 * c1 + vx2 * c2) - xc
                        v, ix = merge16(carry[2 * i], carry[2 * i + 1],
                                        key, cols)
                        out.extend((v, ix))
                    return tuple(out)

                tops = lax.fori_loop(
                    0, nchunks, chunk_body, (neg, zi) * 4)

                for (idxs, isj) in [(tops[2 * i + 1], lanes == 4 * j + i)
                                    for i in range(4)]:
                    g0 = plsc.load_gather(ce0, [idxs])
                    g1 = plsc.load_gather(ce1, [idxs])
                    g2 = plsc.load_gather(ce2, [idxs])
                    res0 = jnp.where(
                        isj, jnp.sum(jnp.where(kmask, g0, zero)), res0)
                    res1 = jnp.where(
                        isj, jnp.sum(jnp.where(kmask, g1, zero)), res1)
                    res2 = jnp.where(
                        isj, jnp.sum(jnp.where(kmask, g2, zero)), res2)
                return res0, res1, res2

            res0, res1, res2 = lax.fori_loop(
                0, 4, row_body,
                (jnp.zeros((16,), jnp.float32),
                 jnp.zeros((16,), jnp.float32),
                 jnp.zeros((16,), jnp.float32)))
            ds = pl.ds(g * 16, 16)
            o0[ds] = res0
            o1[ds] = res1
            o2[ds] = res2
            return 0

        lax.fori_loop(0, nrw // 16, group_body, 0)

        pltpu.sync_copy(o0, out_hbm.at[pl.ds((bh * 3 + 0) * ns + row0, nrw)])
        pltpu.sync_copy(o1, out_hbm.at[pl.ds((bh * 3 + 1) * ns + row0, nrw)])
        pltpu.sync_copy(o2, out_hbm.at[pl.ds((bh * 3 + 2) * ns + row0, nrw)])

    return k(xs)



def _edge_head(nm, c3, w_c, b_c):
    wa = lax.slice(w_c, (0, 0), (w_c.shape[0], 3))
    wb = lax.slice(w_c, (0, 3), (w_c.shape[0], 6))
    return _dot(wa, nm) + _dot(wb - wa, c3) + b_c


def _mlp3(h, w1, b1, g1, be1, w2, b2, g2, be2, w3, b3):
    h = _gn_gelu(_dotb(w1, h) + b1, g1, be1)
    h = _gn_gelu(_dotb(w2, h) + b2, g2, be2)
    return _dotb(w3, h) + b3


def _dense_kernel(x_ref, scs_ref, tcs_ref, wcd_ref, bcd_ref, wcm_ref, bcm_ref,
                  wd1_ref, bd1_ref, gd1_ref, bed1_ref,
                  wd2_ref, bd2_ref, gd2_ref, bed2_ref, wd3_ref, bd3_ref,
                  wm1_ref, bm1_ref, gm1_ref, bem1_ref,
                  wm2_ref, bm2_ref, gm2_ref, bem2_ref, wm3_ref, bm3_ref,
                  wg1_ref, bg1_ref, gg1_ref, beg1_ref, wg2_ref, bg2_ref,
                  out_ref, *, n):
    x6 = x_ref[0]
    inv_k = jnp.float32(1.0 / _K)
    nms = []
    for h in range(2):
        nm = jnp.concatenate([scs_ref[0, h], tcs_ref[0, h]], axis=1) * inv_k
        nms.append(nm)

    cd = lax.slice(x6, (0, 0), (3, n))
    cm = lax.slice(x6, (3, 0), (6, n))
    xd = _edge_head(nms[0], cd, wcd_ref[...], bcd_ref[...])
    xm = _edge_head(nms[1], cm, wcm_ref[...], bcm_ref[...])

    xdo = _mlp3(xd, wd1_ref[...], bd1_ref[...], gd1_ref[...], bed1_ref[...],
                wd2_ref[...], bd2_ref[...], gd2_ref[...], bed2_ref[...],
                wd3_ref[...], bd3_ref[...])
    xmo = _mlp3(xm, wm1_ref[...], bm1_ref[...], gm1_ref[...], bem1_ref[...],
                wm2_ref[...], bm2_ref[...], gm2_ref[...], bem2_ref[...],
                wm3_ref[...], bm3_ref[...])

    xc = jnp.concatenate([xdo, xmo], axis=0)
    h = _gn_gelu(_dotb(wg1_ref[...], xc) + bg1_ref[...],
                 gg1_ref[...], beg1_ref[...])
    out_ref[0] = _dotb(wg2_ref[...], h) + bg2_ref[...]


def kernel(x, w_cd, b_cd, w_cm, b_cm, w_d1, b_d1, g_d1, be_d1, w_d2, b_d2,
           g_d2, be_d2, w_d3, b_d3, w_m1, b_m1, g_m1, be_m1, w_m2, b_m2,
           g_m2, be_m2, w_m3, b_m3, w_g1, b_g1, g_g1, be_g1, w_g2, b_g2):
    B, C, N = x.shape
    ns = _SC_ROWS
    nt = N - ns
    R = nt // -(-nt // 1024)
    xt = jnp.transpose(x, (0, 2, 1))
    xs = x.reshape(B * 2 * 3 * N)

    scsum = _sc_knn(xs, N).reshape(B, 2, 3, ns)

    tcsum = pl.pallas_call(
        functools.partial(_tc_knn_kernel, n=N, row_lo=ns, r=R),
        grid=(B,),
        in_specs=[
            pl.BlockSpec((1, N, C), lambda b: (b, 0, 0)),
            pl.BlockSpec((1, C, N), lambda b: (b, 0, 0)),
        ],
        out_specs=pl.BlockSpec((1, 2, 3, nt), lambda b: (b, 0, 0, 0)),
        out_shape=jax.ShapeDtypeStruct((B, 2, 3, nt), jnp.float32),
        compiler_params=pltpu.CompilerParams(
            dimension_semantics=("arbitrary",)),
    )(xt, x)

    def col(v):
        return v.reshape(-1, 1)

    weights = (w_cd, col(b_cd), w_cm, col(b_cm),
               w_d1, col(b_d1), col(g_d1), col(be_d1),
               w_d2, col(b_d2), col(g_d2), col(be_d2), w_d3, col(b_d3),
               w_m1, col(b_m1), col(g_m1), col(be_m1),
               w_m2, col(b_m2), col(g_m2), col(be_m2), w_m3, col(b_m3),
               w_g1, col(b_g1), col(g_g1), col(be_g1), w_g2, col(b_g2))

    def wspec(v):
        nd = v.ndim
        return pl.BlockSpec(v.shape, lambda b, _nd=nd: (0,) * _nd)

    in_specs = [
        pl.BlockSpec((1, C, N), lambda b: (b, 0, 0)),
        pl.BlockSpec((1, 2, 3, ns), lambda b: (b, 0, 0, 0)),
        pl.BlockSpec((1, 2, 3, nt), lambda b: (b, 0, 0, 0)),
    ] + [wspec(v) for v in weights]

    out = pl.pallas_call(
        functools.partial(_dense_kernel, n=N),
        grid=(B,),
        in_specs=in_specs,
        out_specs=pl.BlockSpec((1, 512, N), lambda b: (b, 0, 0)),
        out_shape=jax.ShapeDtypeStruct((B, 512, N), jnp.float32),
        compiler_params=pltpu.CompilerParams(
            dimension_semantics=("arbitrary",)),
    )(x, scsum, tcsum, *weights)
    return out

# --- scband reference (transcript-rebuilt; emitter-appended) ---
"""Pipeline reference for scband-conv-in-seq-direction-moment-knn-833223655548 (READ-ONLY COPY).

The authoritative reference and input builder live on the scoring server;
editing this copy changes nothing except your own understanding.
"""

import jax, jax.numpy as jnp
import numpy as np
import math


def gelu_(x):
    return 0.5 * x * (1 + jnp.tanh(math.sqrt(2 / math.pi) * (x + 0.044715 * x ** 3)))


def group_norm(x, gamma, beta, groups=4, eps=1e-05):
    B, C, N = x.shape
    xr = x.reshape(B, groups, C // groups, N)
    mean = xr.mean(axis=(2, 3), keepdims=True)
    var = xr.var(axis=(2, 3), keepdims=True)
    xr = (xr - mean) / jnp.sqrt(var + eps)
    return xr.reshape(B, C, N) * gamma[None, :, None] + beta[None, :, None]


def knn_idx(x, k):
    inner = -2.0 * jnp.einsum('bcn,bcm->bnm', x, x)
    xx = jnp.sum(x ** 2, axis=1, keepdims=True)
    pd = -xx - inner - jnp.transpose(xx, (0, 2, 1))
    return jax.lax.top_k(pd, k)[1]


def get_graph_feature(x, k=10):
    B, C, N = x.shape
    kk = min(k, N)
    idx = knn_idx(x, kk)
    xt = jnp.transpose(x, (0, 2, 1))
    feature = xt[jnp.arange(B)[:, None, None], idx]
    xe = jnp.broadcast_to(xt[:, :, None, :], (B, N, kk, C))
    feat = jnp.concatenate([feature - xe, xe], axis=3)
    return jnp.transpose(feat, (0, 3, 1, 2))


def conv2d1(x, w, b):
    return jnp.einsum('oc,bcnk->bonk', w, x) + b[None, :, None, None]


def conv1d1(x, w, b):
    return jnp.einsum('oc,bcn->bon', w, x) + b[None, :, None]


def mlp3(h, w1, b1, g1, be1, w2, b2, g2, be2, w3, b3):
    h = gelu_(group_norm(conv1d1(h, w1, b1), g1, be1))
    h = gelu_(group_norm(conv1d1(h, w2, b2), g2, be2))
    return conv1d1(h, w3, b3)


def setup_inputs(seed: int = 0):
    key = jax.random.key(seed)
    c = [0]
    def nk():
        c[0] += 1
        return jax.random.fold_in(key, c[0])
    def w(shape):
        return jax.random.normal(nk(), shape, dtype=jnp.float32) * 0.05
    inp = {}
    inp['x'] = jax.random.normal(nk(), (8, 6, 2048), dtype=jnp.float32)
    inp['w_cd'] = w((32, 6)); inp['b_cd'] = w((32,))
    inp['w_cm'] = w((32, 6)); inp['b_cm'] = w((32,))
    for p in ('d', 'm'):
        dims = (32, 64, 128, 256)
        inp['w_%s1' % p] = w((dims[1], dims[0])); inp['b_%s1' % p] = w((dims[1],))
        inp['g_%s1' % p] = jnp.ones((dims[1],), jnp.float32); inp['be_%s1' % p] = jnp.zeros((dims[1],), jnp.float32)
        inp['w_%s2' % p] = w((dims[2], dims[1])); inp['b_%s2' % p] = w((dims[2],))
        inp['g_%s2' % p] = jnp.ones((dims[2],), jnp.float32); inp['be_%s2' % p] = jnp.zeros((dims[2],), jnp.float32)
        inp['w_%s3' % p] = w((dims[3], dims[2])); inp['b_%s3' % p] = w((dims[3],))
    inp['w_g1'] = w((512, 512)); inp['b_g1'] = w((512,))
    inp['g_g1'] = jnp.ones((512,), jnp.float32); inp['be_g1'] = jnp.zeros((512,), jnp.float32)
    inp['w_g2'] = w((512, 512)); inp['b_g2'] = w((512,))
    return inp


def reference(x, w_cd, b_cd, w_cm, b_cm, w_d1, b_d1, g_d1, be_d1, w_d2, b_d2, g_d2, be_d2, w_d3, b_d3, w_m1, b_m1, g_m1, be_m1, w_m2, b_m2, g_m2, be_m2, w_m3, b_m3, w_g1, b_g1, g_g1, be_g1, w_g2, b_g2):
    xd = conv2d1(get_graph_feature(x[:, :3, :]), w_cd, b_cd).mean(axis=-1)
    xm = conv2d1(get_graph_feature(x[:, 3:, :]), w_cm, b_cm).mean(axis=-1)
    xdo = mlp3(xd, w_d1, b_d1, g_d1, be_d1, w_d2, b_d2, g_d2, be_d2, w_d3, b_d3)
    xmo = mlp3(xm, w_m1, b_m1, g_m1, be_m1, w_m2, b_m2, g_m2, be_m2, w_m3, b_m3)
    xc = jnp.concatenate([xdo, xmo], axis=-2)
    h = gelu_(group_norm(conv1d1(xc, w_g1, b_g1), g_g1, be_g1))
    return conv1d1(h, w_g2, b_g2)

if __name__ == "__main__":
    import jax
    _d = setup_inputs()
    print(jax.jit(kernel)(*tuple(_d.values())))

</pallas_src>

<mosaic_0001>
#map = affine_map<(d0, d1) -> (0)>
module attributes {stable_mosaic.version = 14 : i64} {
  func.func @k(%arg0: i32, %arg1: i32, %arg2: memref<98304xf32, #tpu.memory_space<hbm>>, %arg3: memref<61440xf32, #tpu.memory_space<hbm>>, %arg4: memref<2048xf32, #tpu.memory_space<vmem>>, %arg5: memref<2048xf32, #tpu.memory_space<vmem>>, %arg6: memref<2048xf32, #tpu.memory_space<vmem>>, %arg7: memref<2048xf32, #tpu.memory_space<vmem>>, %arg8: memref<2048xf32, #tpu.memory_space<vmem>>, %arg9: memref<2048xf32, #tpu.memory_space<vmem>>, %arg10: memref<2048xf32, #tpu.memory_space<vmem>>, %arg11: memref<640xf32, #tpu.memory_space<vmem>>, %arg12: memref<640xf32, #tpu.memory_space<vmem>>, %arg13: memref<640xf32, #tpu.memory_space<vmem>>) attributes {dimension_semantics = [#tpu.dimension_semantics<core_parallel>, #tpu.dimension_semantics<subcore_parallel>], iteration_bounds = array<i64: 2, 16>, scalar_prefetch = 0 : i64, scratch_operands = 10 : i64, tpu.core_type = #tpu.core_type<sc_vector_subcore>, window_params = [{transform_indices = #map}, {transform_indices = #map}]} {
    %mul3A = arith.constant 2 : i32
    %mul3A_0 = arith.muli %arg1, %mul3A : i32
    %add3A = arith.addi %mul3A_0, %arg0 : i32
    %jit3A = arith.constant 2 : i32
    %div3A = arith.divsi %add3A, %jit3A : i32
    %sign3A = arith.constant 0 : i32
    %sign3A_1 = arith.cmpi sgt, %add3A, %sign3A : i32
    %sign3A_2 = arith.extui %sign3A_1 : i1 to i32
    %sign3A_3 = arith.constant 0 : i32
    %sign3A_4 = arith.cmpi slt, %add3A, %sign3A_3 : i32
    %sign3A_5 = arith.extui %sign3A_4 : i1 to i32
    %sign3A_6 = arith.subi %sign3A_2, %sign3A_5 : i32
    %sign3A_7 = arith.constant 0 : i32
    %sign3A_8 = arith.cmpi sgt, %jit3A, %sign3A_7 : i32
    %sign3A_9 = arith.extui %sign3A_8 : i1 to i32
    %sign3A_10 = arith.constant 0 : i32
    %sign3A_11 = arith.cmpi slt, %jit3A, %sign3A_10 : i32
    %sign3A_12 = arith.extui %sign3A_11 : i1 to i32
    %sign3A_13 = arith.subi %sign3A_9, %sign3A_12 : i32
    %ne3A = arith.cmpi ne, %sign3A_6, %sign3A_13 : i32
    %rem3A = arith.remsi %add3A, %jit3A : i32
    %ne3A_14 = arith.constant 0 : i32
    %ne3A_15 = arith.cmpi ne, %rem3A, %ne3A_14 : i32
    %and3A = arith.andi %ne3A, %ne3A_15 : i1
    %sub3A = arith.constant 1 : i32
    %sub3A_16 = arith.subi %div3A, %sub3A : i32
    %select_n3A = arith.select %and3A, %sub3A_16, %div3A : i32
    %jit3A_17 = arith.constant 2 : i32
    %eq3A = arith.constant 0 : i32
    %eq3A_18 = arith.cmpi eq, %jit3A_17, %eq3A : i32
    %jit3A_19 = arith.constant 1 : i32
    %select_n3A_20 = arith.select %eq3A_18, %jit3A_19, %jit3A_17 : i32
    %rem3A_21 = arith.remsi %add3A, %select_n3A_20 : i32
    %ne3A_22 = arith.constant 0 : i32
    %ne3A_23 = arith.cmpi ne, %rem3A_21, %ne3A_22 : i32
    %lt3A = arith.constant 0 : i32
    %lt3A_24 = arith.cmpi slt, %rem3A_21, %lt3A : i32
    %lt3A_25 = arith.constant 0 : i32
    %lt3A_26 = arith.cmpi slt, %select_n3A_20, %lt3A_25 : i32
    %ne3A_27 = arith.xori %lt3A_24, %lt3A_26 : i1
    %and3A_28 = arith.andi %ne3A_27, %ne3A_23 : i1
    %add3A_29 = arith.addi %rem3A_21, %select_n3A_20 : i32
    %select_n3A_30 = arith.select %and3A_28, %add3A_29, %rem3A_21 : i32
    %mul3A_31 = arith.constant 640 : i32
    %mul3A_32 = arith.muli %select_n3A_30, %mul3A_31 : i32
    %mul3A_33 = arith.constant 3 : i32
    %mul3A_34 = arith.muli %select_n3A, %mul3A_33 : i32
    %add3A_35 = arith.constant 0 : i32
    %add3A_36 = arith.addi %mul3A_34, %add3A_35 : i32
    %mul3A_37 = arith.constant 2048 : i32
    %mul3A_38 = arith.muli %add3A_36, %mul3A_37 : i32
    "tpu.region"() ({
      %run_scoped3A = tpu.sem_alloc : memref<!tpu.dma_semaphore, #tpu.memory_space<semaphore_mem>>
      %dma_start3A = tpu.memref_slice %arg2[%mul3A_38] : memref<98304xf32, #tpu.memory_space<hbm>> -> memref<2048xf32, #tpu.memory_space<hbm>>
      %dma_start3A_92 = tpu.memref_slice %arg2[%mul3A_38] : memref<98304xf32, #tpu.memory_space<hbm>> -> memref<2048xf32, #tpu.memory_space<hbm>>
      tpu.enqueue_dma source(%dma_start3A_92 : memref<2048xf32, #tpu.memory_space<hbm>>) target(%arg4 : memref<2048xf32, #tpu.memory_space<vmem>>) target_semaphore(%run_scoped3A : memref<!tpu.dma_semaphore, #tpu.memory_space<semaphore_mem>>)
      %dma_wait3A = tpu.memref_slice %arg2[%mul3A_38] : memref<98304xf32, #tpu.memory_space<hbm>> -> memref<2048xf32, #tpu.memory_space<hbm>>
      %dma_wait3A_93 = tpu.memref_slice %arg2[%mul3A_38] : memref<98304xf32, #tpu.memory_space<hbm>> -> memref<2048xf32, #tpu.memory_space<hbm>>
      tpu.wait_dma2 semaphore(%run_scoped3A : memref<!tpu.dma_semaphore, #tpu.memory_space<semaphore_mem>>) src(%dma_wait3A_93 : memref<2048xf32, #tpu.memory_space<hbm>>) dst(%arg4 : memref<2048xf32, #tpu.memory_space<vmem>>)
      tpu.yield
    }) : () -> ()
    %mul3A_39 = arith.constant 3 : i32
    %mul3A_40 = arith.muli %select_n3A, %mul3A_39 : i32
    %add3A_41 = arith.constant 1 : i32
    %add3A_42 = arith.addi %mul3A_40, %add3A_41 : i32
    %mul3A_43 = arith.constant 2048 : i32
    %mul3A_44 = arith.muli %add3A_42, %mul3A_43 : i32
    "tpu.region"() ({
      %run_scoped3A = tpu.sem_alloc : memref<!tpu.dma_semaphore, #tpu.memory_space<semaphore_mem>>
      %dma_start3A = tpu.memref_slice %arg2[%mul3A_44] : memref<98304xf32, #tpu.memory_space<hbm>> -> memref<2048xf32, #tpu.memory_space<hbm>>
      %dma_start3A_92 = tpu.memref_slice %arg2[%mul3A_44] : memref<98304xf32, #tpu.memory_space<hbm>> -> memref<2048xf32, #tpu.memory_space<hbm>>
      tpu.enqueue_dma source(%dma_start3A_92 : memref<2048xf32, #tpu.memory_space<hbm>>) target(%arg5 : memref<2048xf32, #tpu.memory_space<vmem>>) target_semaphore(%run_scoped3A : memref<!tpu.dma_semaphore, #tpu.memory_space<semaphore_mem>>)
      %dma_wait3A = tpu.memref_slice %arg2[%mul3A_44] : memref<98304xf32, #tpu.memory_space<hbm>> -> memref<2048xf32, #tpu.memory_space<hbm>>
      %dma_wait3A_93 = tpu.memref_slice %arg2[%mul3A_44] : memref<98304xf32, #tpu.memory_space<hbm>> -> memref<2048xf32, #tpu.memory_space<hbm>>
      tpu.wait_dma2 semaphore(%run_scoped3A : memref<!tpu.dma_semaphore, #tpu.memory_space<semaphore_mem>>) src(%dma_wait3A_93 : memref<2048xf32, #tpu.memory_space<hbm>>) dst(%arg5 : memref<2048xf32, #tpu.memory_space<vmem>>)
      tpu.yield
    }) : () -> ()
    %mul3A_45 = arith.constant 3 : i32
    %mul3A_46 = arith.muli %select_n3A, %mul3A_45 : i32
    %add3A_47 = arith.constant 2 : i32
    %add3A_48 = arith.addi %mul3A_46, %add3A_47 : i32
    %mul3A_49 = arith.constant 2048 : i32
    %mul3A_50 = arith.muli %add3A_48, %mul3A_49 : i32
    "tpu.region"() ({
      %run_scoped3A = tpu.sem_alloc : memref<!tpu.dma_semaphore, #tpu.memory_space<semaphore_mem>>
      %dma_start3A = tpu.memref_slice %arg2[%mul3A_50] : memref<98304xf32, #tpu.memory_space<hbm>> -> memref<2048xf32, #tpu.memory_space<hbm>>
      %dma_start3A_92 = tpu.memref_slice %arg2[%mul3A_50] : memref<98304xf32, #tpu.memory_space<hbm>> -> memref<2048xf32, #tpu.memory_space<hbm>>
      tpu.enqueue_dma source(%dma_start3A_92 : memref<2048xf32, #tpu.memory_space<hbm>>) target(%arg6 : memref<2048xf32, #tpu.memory_space<vmem>>) target_semaphore(%run_scoped3A : memref<!tpu.dma_semaphore, #tpu.memory_space<semaphore_mem>>)
      %dma_wait3A = tpu.memref_slice %arg2[%mul3A_50] : memref<98304xf32, #tpu.memory_space<hbm>> -> memref<2048xf32, #tpu.memory_space<hbm>>
      %dma_wait3A_93 = tpu.memref_slice %arg2[%mul3A_50] : memref<98304xf32, #tpu.memory_space<hbm>> -> memref<2048xf32, #tpu.memory_space<hbm>>
      tpu.wait_dma2 semaphore(%run_scoped3A : memref<!tpu.dma_semaphore, #tpu.memory_space<semaphore_mem>>) src(%dma_wait3A_93 : memref<2048xf32, #tpu.memory_space<hbm>>) dst(%arg6 : memref<2048xf32, #tpu.memory_space<vmem>>)
      tpu.yield
    }) : () -> ()
    %scan3A = arith.constant 0 : i32
    %scan3A_51 = arith.constant 0 : i32
    %scan3A_52 = arith.constant 128 : i32
    %scan3A_53 = arith.addi %scan3A_51, %scan3A_52 : i32
    %scan3A_54 = arith.constant 1 : i32
    %scan3A_55 = scf.for %scan3A_92 = %scan3A_51 to %scan3A_53 step %scan3A_54 iter_args(%scan3A_93 = %scan3A) -> (i32)  : i32 {
      %mul3A_94 = arith.constant 16 : i32
      %mul3A_95 = arith.muli %scan3A_92, %mul3A_94 : i32
      %get3A = arith.index_cast %mul3A_95 : i32 to index
      %get3A_96 = tpu.vector_load %arg4[%get3A] {strides = array<i32>} : memref<2048xf32, #tpu.memory_space<vmem>>, vector<16xf32>,
      %get3A_97 = arith.index_cast %mul3A_95 : i32 to index
      %get3A_98 = tpu.vector_load %arg5[%get3A_97] {strides = array<i32>} : memref<2048xf32, #tpu.memory_space<vmem>>, vector<16xf32>,
      %get3A_99 = arith.index_cast %mul3A_95 : i32 to index
      %get3A_100 = tpu.vector_load %arg6[%get3A_99] {strides = array<i32>} : memref<2048xf32, #tpu.memory_space<vmem>>, vector<16xf32>,
      %bitcast3A = vector.bitcast %get3A_96 : vector<16xf32> to vector<16xi32>
      %add3A_101 = arith.constant 32767 : i32
      %add3A_102 = vector.broadcast %add3A_101 : i32 to vector<16xi32>
      %add3A_103 = arith.addi %bitcast3A, %add3A_102 : vector<16xi32>
      %shift_right_logical3A = arith.constant 16 : i32
      %shift_right_logical3A_104 = vector.broadcast %shift_right_logical3A : i32 to vector<16xi32>
      %shift_right_logical3A_105 = arith.shrui %bitcast3A, %shift_right_logical3A_104 : vector<16xi32>
      %and3A_106 = arith.constant 1 : i32
      %and3A_107 = vector.broadcast %and3A_106 : i32 to vector<16xi32>
      %and3A_108 = arith.andi %shift_right_logical3A_105, %and3A_107 : vector<16xi32>
      %add3A_109 = arith.addi %add3A_103, %and3A_108 : vector<16xi32>
      %and3A_110 = arith.constant -65536 : i32
      %and3A_111 = vector.broadcast %and3A_110 : i32 to vector<16xi32>
      %and3A_112 = arith.andi %add3A_109, %and3A_111 : vector<16xi32>
      %bitcast3A_113 = vector.bitcast %and3A_112 : vector<16xi32> to vector<16xf32>
      %swap3A = arith.index_cast %mul3A_95 : i32 to index
      %swap3A_114 = tpu.vector_load %arg7[%swap3A] {strides = array<i32>} : memref<2048xf32, #tpu.memory_space<vmem>>, vector<16xf32>,
      tpu.vector_store %arg7[%swap3A], %bitcast3A_113 {strides = array<i32>} : memref<2048xf32, #tpu.memory_space<vmem>>, vector<16xf32>,
      %bitcast3A_115 = vector.bitcast %get3A_98 : vector<16xf32> to vector<16xi32>
      %add3A_116 = arith.constant 32767 : i32
      %add3A_117 = vector.broadcast %add3A_116 : i32 to vector<16xi32>
      %add3A_118 = arith.addi %bitcast3A_115, %add3A_117 : vector<16xi32>
      %shift_right_logical3A_119 = arith.constant 16 : i32
      %shift_right_logical3A_120 = vector.broadcast %shift_right_logical3A_119 : i32 to vector<16xi32>
      %shift_right_logical3A_121 = arith.shrui %bitcast3A_115, %shift_right_logical3A_120 : vector<16xi32>
      %and3A_122 = arith.constant 1 : i32
      %and3A_123 = vector.broadcast %and3A_122 : i32 to vector<16xi32>
      %and3A_124 = arith.andi %shift_right_logical3A_121, %and3A_123 : vector<16xi32>
      %add3A_125 = arith.addi %add3A_118, %and3A_124 : vector<16xi32>
      %and3A_126 = arith.constant -65536 : i32
      %and3A_127 = vector.broadcast %and3A_126 : i32 to vector<16xi32>
      %and3A_128 = arith.andi %add3A_125, %and3A_127 : vector<16xi32>
      %bitcast3A_129 = vector.bitcast %and3A_128 : vector<16xi32> to vector<16xf32>
      %swap3A_130 = arith.index_cast %mul3A_95 : i32 to index
      %swap3A_131 = tpu.vector_load %arg8[%swap3A_130] {strides = array<i32>} : memref<2048xf32, #tpu.memory_space<vmem>>, vector<16xf32>,
      tpu.vector_store %arg8[%swap3A_130], %bitcast3A_129 {strides = array<i32>} : memref<2048xf32, #tpu.memory_space<vmem>>, vector<16xf32>,
      %bitcast3A_132 = vector.bitcast %get3A_100 : vector<16xf32> to vector<16xi32>
      %add3A_133 = arith.constant 32767 : i32
      %add3A_134 = vector.broadcast %add3A_133 : i32 to vector<16xi32>
      %add3A_135 = arith.addi %bitcast3A_132, %add3A_134 : vector<16xi32>
      %shift_right_logical3A_136 = arith.constant 16 : i32
      %shift_right_logical3A_137 = vector.broadcast %shift_right_logical3A_136 : i32 to vector<16xi32>
      %shift_right_logical3A_138 = arith.shrui %bitcast3A_132, %shift_right_logical3A_137 : vector<16xi32>
      %and3A_139 = arith.constant 1 : i32
      %and3A_140 = vector.broadcast %and3A_139 : i32 to vector<16xi32>
      %and3A_141 = arith.andi %shift_right_logical3A_138, %and3A_140 : vector<16xi32>
      %add3A_142 = arith.addi %add3A_135, %and3A_141 : vector<16xi32>
      %and3A_143 = arith.constant -65536 : i32
      %and3A_144 = vector.broadcast %and3A_143 : i32 to vector<16xi32>
      %and3A_145 = arith.andi %add3A_142, %and3A_144 : vector<16xi32>
      %bitcast3A_146 = vector.bitcast %and3A_145 : vector<16xi32> to vector<16xf32>
      %swap3A_147 = arith.index_cast %mul3A_95 : i32 to index
      %swap3A_148 = tpu.vector_load %arg9[%swap3A_147] {strides = array<i32>} : memref<2048xf32, #tpu.memory_space<vmem>>, vector<16xf32>,
      tpu.vector_store %arg9[%swap3A_147], %bitcast3A_146 {strides = array<i32>} : memref<2048xf32, #tpu.memory_space<vmem>>, vector<16xf32>,
      %mul3A_149 = arith.mulf %get3A_96, %get3A_96 : vector<16xf32>
      %mul3A_150 = arith.mulf %get3A_98, %get3A_98 : vector<16xf32>
      %add3A_151 = arith.addf %mul3A_149, %mul3A_150 : vector<16xf32>
      %mul3A_152 = arith.mulf %get3A_100, %get3A_100 : vector<16xf32>
      %add3A_153 = arith.addf %add3A_151, %mul3A_152 : vector<16xf32>
      %swap3A_154 = arith.index_cast %mul3A_95 : i32 to index
      %swap3A_155 = tpu.vector_load %arg10[%swap3A_154] {strides = array<i32>} : memref<2048xf32, #tpu.memory_space<vmem>>, vector<16xf32>,
      tpu.vector_store %arg10[%swap3A_154], %add3A_153 {strides = array<i32>} : memref<2048xf32, #tpu.memory_space<vmem>>, vector<16xf32>,
      %scan3A_156 = arith.constant 0 : i32
      scf.yield %scan3A_156 : i32
    }
    %scan3A_56 = arith.constant 128 : i32
    %iota3A = tpu.iota {dimensions = array<i32: 0>} : vector<16xi32>
    %lt3A_57 = arith.constant 10 : i32
    %lt3A_58 = vector.broadcast %lt3A_57 : i32 to vector<16xi32>
    %lt3A_59 = arith.cmpi slt, %iota3A, %lt3A_58 : vector<16xi32>
    %broadcast_in_dim3A = arith.constant -3.000000e+38 : f32
    %broadcast_in_dim3A_60 = vector.broadcast %broadcast_in_dim3A : f32 to vector<16xf32>
    %broadcast_in_dim3A_61 = arith.constant 0 : i32
    %broadcast_in_dim3A_62 = vector.broadcast %broadcast_in_dim3A_61 : i32 to vector<16xi32>
    %scan3A_63 = arith.constant 0.000000e+00 : f32
    %scan3A_64 = arith.constant 0 : i32
    %scan3A_65 = arith.constant 0 : i32
    %scan3A_66 = arith.constant 40 : i32
    %scan3A_67 = arith.addi %scan3A_65, %scan3A_66 : i32
    %scan3A_68 = arith.constant 1 : i32
    %scan3A_69 = scf.for %scan3A_92 = %scan3A_65 to %scan3A_67 step %scan3A_68 iter_args(%scan3A_93 = %scan3A_64) -> (i32)  : i32 {
      %broadcast_in_dim3A_94 = arith.constant 0.000000e+00 : f32
      %broadcast_in_dim3A_95 = vector.broadcast %broadcast_in_dim3A_94 : f32 to vector<16xf32>
      %broadcast_in_dim3A_96 = arith.constant 0.000000e+00 : f32
      %broadcast_in_dim3A_97 = vector.broadcast %broadcast_in_dim3A_96 : f32 to vector<16xf32>
      %broadcast_in_dim3A_98 = arith.constant 0.000000e+00 : f32
      %broadcast_in_dim3A_99 = vector.broadcast %broadcast_in_dim3A_98 : f32 to vector<16xf32>
      %scan3A_100 = arith.constant 0 : i32
      %scan3A_101 = arith.constant 4 : i32
      %scan3A_102 = arith.addi %scan3A_100, %scan3A_101 : i32
      %scan3A_103 = arith.constant 1 : i32
      %scan3A_104:3 = scf.for %scan3A_114 = %scan3A_100 to %scan3A_102 step %scan3A_103 iter_args(%scan3A_115 = %broadcast_in_dim3A_95, %scan3A_116 = %broadcast_in_dim3A_97, %scan3A_117 = %broadcast_in_dim3A_99) -> (vector<16xf32>, vector<16xf32>, vector<16xf32>)  : i32 {
        %mul3A_118 = arith.constant 16 : i32
        %mul3A_119 = arith.muli %scan3A_92, %mul3A_118 : i32
        %add3A_120 = arith.addi %mul3A_32, %mul3A_119 : i32
        %mul3A_121 = arith.constant 4 : i32
        %mul3A_122 = arith.muli %mul3A_121, %scan3A_114 : i32
        %add3A_123 = arith.addi %add3A_120, %mul3A_122 : i32
        %add3A_124 = arith.constant 0 : i32
        %add3A_125 = arith.addi %add3A_123, %add3A_124 : i32
        %broadcast_in_dim3A_126 = vector.broadcast %add3A_125 : i32 to vector<16xi32>
        %gather3A = tpu.vector_load_idx %arg7[%broadcast_in_dim3A_126] : memref<2048xf32, #tpu.memory_space<vmem>>[vector<16xi32>], vector<16xf32>,
        %gather3A_127 = tpu.vector_load_idx %arg8[%broadcast_in_dim3A_126] : memref<2048xf32, #tpu.memory_space<vmem>>[vector<16xi32>], vector<16xf32>,
        %gather3A_128 = tpu.vector_load_idx %arg9[%broadcast_in_dim3A_126] : memref<2048xf32, #tpu.memory_space<vmem>>[vector<16xi32>], vector<16xf32>,
        %gather3A_129 = tpu.vector_load_idx %arg10[%broadcast_in_dim3A_126] : memref<2048xf32, #tpu.memory_space<vmem>>[vector<16xi32>], vector<16xf32>,
        %neg3A = arith.constant 0.000000e+00 : f32
        %neg3A_130 = vector.broadcast %neg3A : f32 to vector<16xf32>
        %neg3A_131 = arith.subf %neg3A_130, %gather3A_129 : vector<16xf32>
        %add3A_132 = arith.constant 1 : i32
        %add3A_133 = arith.addi %add3A_123, %add3A_132 : i32
        %broadcast_in_dim3A_134 = vector.broadcast %add3A_133 : i32 to vector<16xi32>
        %gather3A_135 = tpu.vector_load_idx %arg7[%broadcast_in_dim3A_134] : memref<2048xf32, #tpu.memory_space<vmem>>[vector<16xi32>], vector<16xf32>,
        %gather3A_136 = tpu.vector_load_idx %arg8[%broadcast_in_dim3A_134] : memref<2048xf32, #tpu.memory_space<vmem>>[vector<16xi32>], vector<16xf32>,
        %gather3A_137 = tpu.vector_load_idx %arg9[%broadcast_in_dim3A_134] : memref<2048xf32, #tpu.memory_space<vmem>>[vector<16xi32>], vector<16xf32>,
        %gather3A_138 = tpu.vector_load_idx %arg10[%broadcast_in_dim3A_134] : memref<2048xf32, #tpu.memory_space<vmem>>[vector<16xi32>], vector<16xf32>,
        %neg3A_139 = arith.constant 0.000000e+00 : f32
        %neg3A_140 = vector.broadcast %neg3A_139 : f32 to vector<16xf32>
        %neg3A_141 = arith.subf %neg3A_140, %gather3A_138 : vector<16xf32>
        %add3A_142 = arith.constant 2 : i32
        %add3A_143 = arith.addi %add3A_123, %add3A_142 : i32
        %broadcast_in_dim3A_144 = vector.broadcast %add3A_143 : i32 to vector<16xi32>
        %gather3A_145 = tpu.vector_load_idx %arg7[%broadcast_in_dim3A_144] : memref<2048xf32, #tpu.memory_space<vmem>>[vector<16xi32>], vector<16xf32>,
        %gather3A_146 = tpu.vector_load_idx %arg8[%broadcast_in_dim3A_144] : memref<2048xf32, #tpu.memory_space<vmem>>[vector<16xi32>], vector<16xf32>,
        %gather3A_147 = tpu.vector_load_idx %arg9[%broadcast_in_dim3A_144] : memref<2048xf32, #tpu.memory_space<vmem>>[vector<16xi32>], vector<16xf32>,
        %gather3A_148 = tpu.vector_load_idx %arg10[%broadcast_in_dim3A_144] : memref<2048xf32, #tpu.memory_space<vmem>>[vector<16xi32>], vector<16xf32>,
        %neg3A_149 = arith.constant 0.000000e+00 : f32
        %neg3A_150 = vector.broadcast %neg3A_149 : f32 to vector<16xf32>
        %neg3A_151 = arith.subf %neg3A_150, %gather3A_148 : vector<16xf32>
        %add3A_152 = arith.constant 3 : i32
        %add3A_153 = arith.addi %add3A_123, %add3A_152 : i32
        %broadcast_in_dim3A_154 = vector.broadcast %add3A_153 : i32 to vector<16xi32>
        %gather3A_155 = tpu.vector_load_idx %arg7[%broadcast_in_dim3A_154] : memref<2048xf32, #tpu.memory_space<vmem>>[vector<16xi32>], vector<16xf32>,
        %gather3A_156 = tpu.vector_load_idx %arg8[%broadcast_in_dim3A_154] : memref<2048xf32, #tpu.memory_space<vmem>>[vector<16xi32>], vector<16xf32>,
        %gather3A_157 = tpu.vector_load_idx %arg9[%broadcast_in_dim3A_154] : memref<2048xf32, #tpu.memory_space<vmem>>[vector<16xi32>], vector<16xf32>,
        %gather3A_158 = tpu.vector_load_idx %arg10[%broadcast_in_dim3A_154] : memref<2048xf32, #tpu.memory_space<vmem>>[vector<16xi32>], vector<16xf32>,
        %neg3A_159 = arith.constant 0.000000e+00 : f32
        %neg3A_160 = vector.broadcast %neg3A_159 : f32 to vector<16xf32>
        %neg3A_161 = arith.subf %neg3A_160, %gather3A_158 : vector<16xf32>
        %scan3A_162 = arith.constant 0 : i32
        %scan3A_163 = arith.constant 128 : i32
        %scan3A_164 = arith.addi %scan3A_162, %scan3A_163 : i32
        %scan3A_165 = arith.constant 1 : i32
        %scan3A_166:8 = scf.for %scan3A_299 = %scan3A_162 to %scan3A_164 step %scan3A_165 iter_args(%scan3A_300 = %broadcast_in_dim3A_60, %scan3A_301 = %broadcast_in_dim3A_62, %scan3A_302 = %broadcast_in_dim3A_60, %scan3A_303 = %broadcast_in_dim3A_62, %scan3A_304 = %broadcast_in_dim3A_60, %scan3A_305 = %broadcast_in_dim3A_62, %scan3A_306 = %broadcast_in_dim3A_60, %scan3A_307 = %broadcast_in_dim3A_62) -> (vector<16xf32>, vector<16xi32>, vector<16xf32>, vector<16xi32>, vector<16xf32>, vector<16xi32>, vector<16xf32>, vector<16xi32>)  : i32 {
          %mul3A_308 = arith.constant 16 : i32
          %mul3A_309 = arith.muli %scan3A_299, %mul3A_308 : i32
          %get3A = arith.index_cast %mul3A_309 : i32 to index
          %get3A_310 = tpu.vector_load %arg7[%get3A] {strides = array<i32>} : memref<2048xf32, #tpu.memory_space<vmem>>, vector<16xf32>,
          %get3A_311 = arith.index_cast %mul3A_309 : i32 to index
          %get3A_312 = tpu.vector_load %arg8[%get3A_311] {strides = array<i32>} : memref<2048xf32, #tpu.memory_space<vmem>>, vector<16xf32>,
          %get3A_313 = arith.index_cast %mul3A_309 : i32 to index
          %get3A_314 = tpu.vector_load %arg9[%get3A_313] {strides = array<i32>} : memref<2048xf32, #tpu.memory_space<vmem>>, vector<16xf32>,
          %get3A_315 = arith.index_cast %mul3A_309 : i32 to index
          %get3A_316 = tpu.vector_load %arg10[%get3A_315] {strides = array<i32>} : memref<2048xf32, #tpu.memory_space<vmem>>, vector<16xf32>,
          %mul3A_317 = arith.constant 16 : i32
          %mul3A_318 = arith.muli %scan3A_299, %mul3A_317 : i32
          %add3A_319 = vector.broadcast %mul3A_318 : i32 to vector<16xi32>
          %add3A_320 = arith.addi %iota3A, %add3A_319 : vector<16xi32>
          %mul3A_321 = arith.mulf %gather3A, %get3A_310 : vector<16xf32>
          %mul3A_322 = arith.mulf %gather3A_127, %get3A_312 : vector<16xf32>
          %add3A_323 = arith.addf %mul3A_321, %mul3A_322 : vector<16xf32>
          %mul3A_324 = arith.mulf %gather3A_128, %get3A_314 : vector<16xf32>
          %add3A_325 = arith.addf %add3A_323, %mul3A_324 : vector<16xf32>
          %mul3A_326 = arith.constant -2.000000e+00 : f32
          %mul3A_327 = vector.broadcast %mul3A_326 : f32 to vector<16xf32>
          %mul3A_328 = arith.mulf %mul3A_327, %add3A_325 : vector<16xf32>
          %sub3A_329 = arith.subf %neg3A_131, %mul3A_328 : vector<16xf32>
          %sub3A_330 = arith.subf %sub3A_329, %get3A_316 : vector<16xf32>
          %masked_sort3A = arith.constant dense<true> : vector<16xi1>
          %masked_sort3A_331, %masked_sort3A_332, %masked_sort3A_333 = tpu.sort %sub3A_330, %add3A_320 masked %masked_sort3A {descending = true} : (vector<16xf32>, vector<16xi32>, vector<16xi1>) -> (vector<16xi1>, vector<16xf32>, vector<16xi32>)
          %rev3A = arith.constant 15 : i32
          %rev3A_334 = vector.broadcast %rev3A : i32 to vector<16xi32>
          %rev3A_335 = tpu.iota {dimensions = array<i32: 0>} : vector<16xi32>
          %rev3A_336 = arith.subi %rev3A_334, %rev3A_335 : vector<16xi32>
          %rev3A_337 = tpu.dynamic_gather %masked_sort3A_332[%rev3A_336] in [0] : vector<16xf32>, vector<16xi32> -> vector<16xf32>
          %rev3A_338 = arith.constant 15 : i32
          %rev3A_339 = vector.broadcast %rev3A_338 : i32 to vector<16xi32>
          %rev3A_340 = tpu.iota {dimensions = array<i32: 0>} : vector<16xi32>
          %rev3A_341 = arith.subi %rev3A_339, %rev3A_340 : vector<16xi32>
          %rev3A_342 = tpu.dynamic_gather %masked_sort3A_333[%rev3A_341] in [0] : vector<16xi32>, vector<16xi32> -> vector<16xi32>
          %ge3A = arith.cmpf oge, %scan3A_300, %rev3A_337 : vector<16xf32>
          %select_n3A_343 = arith.select %ge3A, %scan3A_300, %rev3A_337 : vector<16xi1>, vector<16xf32>
          %select_n3A_344 = arith.select %ge3A, %scan3A_301, %rev3A_342 : vector<16xi1>, vector<16xi32>
          %masked_sort3A_345 = arith.constant dense<true> : vector<16xi1>
          %masked_sort3A_346, %masked_sort3A_347, %masked_sort3A_348 = tpu.sort %select_n3A_343, %select_n3A_344 masked %masked_sort3A_345 {descending = true} : (vector<16xf32>, vector<16xi32>, vector<16xi1>) -> (vector<16xi1>, vector<16xf32>, vector<16xi32>)
          %mul3A_349 = arith.mulf %gather3A_135, %get3A_310 : vector<16xf32>
          %mul3A_350 = arith.mulf %gather3A_136, %get3A_312 : vector<16xf32>
          %add3A_351 = arith.addf %mul3A_349, %mul3A_350 : vector<16xf32>
          %mul3A_352 = arith.mulf %gather3A_137, %get3A_314 : vector<16xf32>
          %add3A_353 = arith.addf %add3A_351, %mul3A_352 : vector<16xf32>
          %mul3A_354 = arith.constant -2.000000e+00 : f32
          %mul3A_355 = vector.broadcast %mul3A_354 : f32 to vector<16xf32>
          %mul3A_356 = arith.mulf %mul3A_355, %add3A_353 : vector<16xf32>
          %sub3A_357 = arith.subf %neg3A_141, %mul3A_356 : vector<16xf32>
          %sub3A_358 = arith.subf %sub3A_357, %get3A_316 : vector<16xf32>
          %masked_sort3A_359 = arith.constant dense<true> : vector<16xi1>
          %masked_sort3A_360, %masked_sort3A_361, %masked_sort3A_362 = tpu.sort %sub3A_358, %add3A_320 masked %masked_sort3A_359 {descending = true} : (vector<16xf32>, vector<16xi32>, vector<16xi1>) -> (vector<16xi1>, vector<16xf32>, vector<16xi32>)
          %rev3A_363 = arith.constant 15 : i32
          %rev3A_364 = vector.broadcast %rev3A_363 : i32 to vector<16xi32>
          %rev3A_365 = tpu.iota {dimensions = array<i32: 0>} : vector<16xi32>
          %rev3A_366 = arith.subi %rev3A_364, %rev3A_365 : vector<16xi32>
          %rev3A_367 = tpu.dynamic_gather %masked_sort3A_361[%rev3A_366] in [0] : vector<16xf32>, vector<16xi32> -> vector<16xf32>
          %rev3A_368 = arith.constant 15 : i32
          %rev3A_369 = vector.broadcast %rev3A_368 : i32 to vector<16xi32>
          %rev3A_370 = tpu.iota {dimensions = array<i32: 0>} : vector<16xi32>
          %rev3A_371 = arith.subi %rev3A_369, %rev3A_370 : vector<16xi32>
          %rev3A_372 = tpu.dynamic_gather %masked_sort3A_362[%rev3A_371] in [0] : vector<16xi32>, vector<16xi32> -> vector<16xi32>
          %ge3A_373 = arith.cmpf oge, %scan3A_302, %rev3A_367 : vector<16xf32>
          %select_n3A_374 = arith.select %ge3A_373, %scan3A_302, %rev3A_367 : vector<16xi1>, vector<16xf32>
          %select_n3A_375 = arith.select %ge3A_373, %scan3A_303, %rev3A_372 : vector<16xi1>, vector<16xi32>
          %masked_sort3A_376 = arith.constant dense<true> : vector<16xi1>
          %masked_sort3A_377, %masked_sort3A_378, %masked_sort3A_379 = tpu.sort %select_n3A_374, %select_n3A_375 masked %masked_sort3A_376 {descending = true} : (vector<16xf32>, vector<16xi32>, vector<16xi1>) -> (vector<16xi1>, vector<16xf32>, vector<16xi32>)
          %mul3A_380 = arith.mulf %gather3A_145, %get3A_310 : vector<16xf32>
          %mul3A_381 = arith.mulf %gather3A_146, %get3A_312 : vector<16xf32>
          %add3A_382 = arith.addf %mul3A_380, %mul3A_381 : vector<16xf32>
          %mul3A_383 = arith.mulf %gather3A_147, %get3A_314 : vector<16xf32>
          %add3A_384 = arith.addf %add3A_382, %mul3A_383 : vector<16xf32>
          %mul3A_385 = arith.constant -2.000000e+00 : f32
          %mul3A_386 = vector.broadcast %mul3A_385 : f32 to vector<16xf32>
          %mul3A_387 = arith.mulf %mul3A_386, %add3A_384 : vector<16xf32>
          %sub3A_388 = arith.subf %neg3A_151, %mul3A_387 : vector<16xf32>
          %sub3A_389 = arith.subf %sub3A_388, %get3A_316 : vector<16xf32>
          %masked_sort3A_390 = arith.constant dense<true> : vector<16xi1>
          %masked_sort3A_391, %masked_sort3A_392, %masked_sort3A_393 = tpu.sort %sub3A_389, %add3A_320 masked %masked_sort3A_390 {descending = true} : (vector<16xf32>, vector<16xi32>, vector<16xi1>) -> (vector<16xi1>, vector<16xf32>, vector<16xi32>)
          %rev3A_394 = arith.constant 15 : i32
          %rev3A_395 = vector.broadcast %rev3A_394 : i32 to vector<16xi32>
          %rev3A_396 = tpu.iota {dimensions = array<i32: 0>} : vector<16xi32>
          %rev3A_397 = arith.subi %rev3A_395, %rev3A_396 : vector<16xi32>
          %rev3A_398 = tpu.dynamic_gather %masked_sort3A_392[%rev3A_397] in [0] : vector<16xf32>, vector<16xi32> -> vector<16xf32>
          %rev3A_399 = arith.constant 15 : i32
          %rev3A_400 = vector.broadcast %rev3A_399 : i32 to vector<16xi32>
          %rev3A_401 = tpu.iota {dimensions = array<i32: 0>} : vector<16xi32>
          %rev3A_402 = arith.subi %rev3A_400, %rev3A_401 : vector<16xi32>
          %rev3A_403 = tpu.dynamic_gather %masked_sort3A_393[%rev3A_402] in [0] : vector<16xi32>, vector<16xi32> -> vector<16xi32>
          %ge3A_404 = arith.cmpf oge, %scan3A_304, %rev3A_398 : vector<16xf32>
          %select_n3A_405 = arith.select %ge3A_404, %scan3A_304, %rev3A_398 : vector<16xi1>, vector<16xf32>
          %select_n3A_406 = arith.select %ge3A_404, %scan3A_305, %rev3A_403 : vector<16xi1>, vector<16xi32>
          %masked_sort3A_407 = arith.constant dense<true> : vector<16xi1>
          %masked_sort3A_408, %masked_sort3A_409, %masked_sort3A_410 = tpu.sort %select_n3A_405, %select_n3A_406 masked %masked_sort3A_407 {descending = true} : (vector<16xf32>, vector<16xi32>, vector<16xi1>) -> (vector<16xi1>, vector<16xf32>, vector<16xi32>)
          %mul3A_411 = arith.mulf %gather3A_155, %get3A_310 : vector<16xf32>
          %mul3A_412 = arith.mulf %gather3A_156, %get3A_312 : vector<16xf32>
          %add3A_413 = arith.addf %mul3A_411, %mul3A_412 : vector<16xf32>
          %mul3A_414 = arith.mulf %gather3A_157, %get3A_314 : vector<16xf32>
          %add3A_415 = arith.addf %add3A_413, %mul3A_414 : vector<16xf32>
          %mul3A_416 = arith.constant -2.000000e+00 : f32
          %mul3A_417 = vector.broadcast %mul3A_416 : f32 to vector<16xf32>
          %mul3A_418 = arith.mulf %mul3A_417, %add3A_415 : vector<16xf32>
          %sub3A_419 = arith.subf %neg3A_161, %mul3A_418 : vector<16xf32>
          %sub3A_420 = arith.subf %sub3A_419, %get3A_316 : vector<16xf32>
          %masked_sort3A_421 = arith.constant dense<true> : vector<16xi1>
          %masked_sort3A_422, %masked_sort3A_423, %masked_sort3A_424 = tpu.sort %sub3A_420, %add3A_320 masked %masked_sort3A_421 {descending = true} : (vector<16xf32>, vector<16xi32>, vector<16xi1>) -> (vector<16xi1>, vector<16xf32>, vector<16xi32>)
          %rev3A_425 = arith.constant 15 : i32
          %rev3A_426 = vector.broadcast %rev3A_425 : i32 to vector<16xi32>
          %rev3A_427 = tpu.iota {dimensions = array<i32: 0>} : vector<16xi32>
          %rev3A_428 = arith.subi %rev3A_426, %rev3A_427 : vector<16xi32>
          %rev3A_429 = tpu.dynamic_gather %masked_sort3A_423[%rev3A_428] in [0] : vector<16xf32>, vector<16xi32> -> vector<16xf32>
          %rev3A_430 = arith.constant 15 : i32
          %rev3A_431 = vector.broadcast %rev3A_430 : i32 to vector<16xi32>
          %rev3A_432 = tpu.iota {dimensions = array<i32: 0>} : vector<16xi32>
          %rev3A_433 = arith.subi %rev3A_431, %rev3A_432 : vector<16xi32>
          %rev3A_434 = tpu.dynamic_gather %masked_sort3A_424[%rev3A_433] in [0] : vector<16xi32>, vector<16xi32> -> vector<16xi32>
          %ge3A_435 = arith.cmpf oge, %scan3A_306, %rev3A_429 : vector<16xf32>
          %select_n3A_436 = arith.select %ge3A_435, %scan3A_306, %rev3A_429 : vector<16xi1>, vector<16xf32>
          %select_n3A_437 = arith.select %ge3A_435, %scan3A_307, %rev3A_434 : vector<16xi1>, vector<16xi32>
          %masked_sort3A_438 = arith.constant dense<true> : vector<16xi1>
          %masked_sort3A_439, %masked_sort3A_440, %masked_sort3A_441 = tpu.sort %select_n3A_436, %select_n3A_437 masked %masked_sort3A_438 {descending = true} : (vector<16xf32>, vector<16xi32>, vector<16xi1>) -> (vector<16xi1>, vector<16xf32>, vector<16xi32>)
          scf.yield %masked_sort3A_347, %masked_sort3A_348, %masked_sort3A_378, %masked_sort3A_379, %masked_sort3A_409, %masked_sort3A_410, %masked_sort3A_440, %masked_sort3A_441 : vector<16xf32>, vector<16xi32>, vector<16xf32>, vector<16xi32>, vector<16xf32>, vector<16xi32>, vector<16xf32>, vector<16xi32>
        }
        %scan3A_167 = arith.constant 128 : i32
        %mul3A_168 = arith.constant 4 : i32
        %mul3A_169 = arith.muli %mul3A_168, %scan3A_114 : i32
        %add3A_170 = arith.constant 0 : i32
        %add3A_171 = arith.addi %mul3A_169, %add3A_170 : i32
        %eq3A_172 = vector.broadcast %add3A_171 : i32 to vector<16xi32>
        %eq3A_173 = arith.cmpi eq, %iota3A, %eq3A_172 : vector<16xi32>
        %mul3A_174 = arith.constant 4 : i32
        %mul3A_175 = arith.muli %mul3A_174, %scan3A_114 : i32
        %add3A_176 = arith.constant 1 : i32
        %add3A_177 = arith.addi %mul3A_175, %add3A_176 : i32
        %eq3A_178 = vector.broadcast %add3A_177 : i32 to vector<16xi32>
        %eq3A_179 = arith.cmpi eq, %iota3A, %eq3A_178 : vector<16xi32>
        %mul3A_180 = arith.constant 4 : i32
        %mul3A_181 = arith.muli %mul3A_180, %scan3A_114 : i32
        %add3A_182 = arith.constant 2 : i32
        %add3A_183 = arith.addi %mul3A_181, %add3A_182 : i32
        %eq3A_184 = vector.broadcast %add3A_183 : i32 to vector<16xi32>
        %eq3A_185 = arith.cmpi eq, %iota3A, %eq3A_184 : vector<16xi32>
        %mul3A_186 = arith.constant 4 : i32
        %mul3A_187 = arith.muli %mul3A_186, %scan3A_114 : i32
        %add3A_188 = arith.constant 3 : i32
        %add3A_189 = arith.addi %mul3A_187, %add3A_188 : i32
        %eq3A_190 = vector.broadcast %add3A_189 : i32 to vector<16xi32>
        %eq3A_191 = arith.cmpi eq, %iota3A, %eq3A_190 : vector<16xi32>
        %gather3A_192 = tpu.vector_load_idx %arg4[%scan3A_166#1] : memref<2048xf32, #tpu.memory_space<vmem>>[vector<16xi32>], vector<16xf32>,
        %gather3A_193 = tpu.vector_load_idx %arg5[%scan3A_166#1] : memref<2048xf32, #tpu.memory_space<vmem>>[vector<16xi32>], vector<16xf32>,
        %gather3A_194 = tpu.vector_load_idx %arg6[%scan3A_166#1] : memref<2048xf32, #tpu.memory_space<vmem>>[vector<16xi32>], vector<16xf32>,
        %broadcast_in_dim3A_195 = vector.broadcast %scan3A_63 : f32 to vector<16xf32>
        %select_n3A_196 = arith.select %lt3A_59, %gather3A_192, %broadcast_in_dim3A_195 : vector<16xi1>, vector<16xf32>
        %reduce_sum3A = arith.constant true
        %reduce_sum3A_197 = vector.broadcast %reduce_sum3A : i1 to vector<16xi1>
        %reduce_sum3A_198 = tpu.scan <sum>, %select_n3A_196 masked %reduce_sum3A_197 : vector<16xf32>, vector<16xi1> -> vector<16xf32>
        %reduce_sum3A_199 = vector.extract %reduce_sum3A_198[15] : f32 from vector<16xf32>
        %broadcast_in_dim3A_200 = vector.broadcast %reduce_sum3A_199 : f32 to vector<16xf32>
        %select_n3A_201 = arith.select %eq3A_173, %broadcast_in_dim3A_200, %scan3A_115 : vector<16xi1>, vector<16xf32>
        %broadcast_in_dim3A_202 = vector.broadcast %scan3A_63 : f32 to vector<16xf32>
        %select_n3A_203 = arith.select %lt3A_59, %gather3A_193, %broadcast_in_dim3A_202 : vector<16xi1>, vector<16xf32>
        %reduce_sum3A_204 = arith.constant true
        %reduce_sum3A_205 = vector.broadcast %reduce_sum3A_204 : i1 to vector<16xi1>
        %reduce_sum3A_206 = tpu.scan <sum>, %select_n3A_203 masked %reduce_sum3A_205 : vector<16xf32>, vector<16xi1> -> vector<16xf32>
        %reduce_sum3A_207 = vector.extract %reduce_sum3A_206[15] : f32 from vector<16xf32>
        %broadcast_in_dim3A_208 = vector.broadcast %reduce_sum3A_207 : f32 to vector<16xf32>
        %select_n3A_209 = arith.select %eq3A_173, %broadcast_in_dim3A_208, %scan3A_116 : vector<16xi1>, vector<16xf32>
        %broadcast_in_dim3A_210 = vector.broadcast %scan3A_63 : f32 to vector<16xf32>
        %select_n3A_211 = arith.select %lt3A_59, %gather3A_194, %broadcast_in_dim3A_210 : vector<16xi1>, vector<16xf32>
        %reduce_sum3A_212 = arith.constant true
        %reduce_sum3A_213 = vector.broadcast %reduce_sum3A_212 : i1 to vector<16xi1>
        %reduce_sum3A_214 = tpu.scan <sum>, %select_n3A_211 masked %reduce_sum3A_213 : vector<16xf32>, vector<16xi1> -> vector<16xf32>
        %reduce_sum3A_215 = vector.extract %reduce_sum3A_214[15] : f32 from vector<16xf32>
        %broadcast_in_dim3A_216 = vector.broadcast %reduce_sum3A_215 : f32 to vector<16xf32>
        %select_n3A_217 = arith.select %eq3A_173, %broadcast_in_dim3A_216, %scan3A_117 : vector<16xi1>, vector<16xf32>
        %gather3A_218 = tpu.vector_load_idx %arg4[%scan3A_166#3] : memref<2048xf32, #tpu.memory_space<vmem>>[vector<16xi32>], vector<16xf32>,
        %gather3A_219 = tpu.vector_load_idx %arg5[%scan3A_166#3] : memref<2048xf32, #tpu.memory_space<vmem>>[vector<16xi32>], vector<16xf32>,
        %gather3A_220 = tpu.vector_load_idx %arg6[%scan3A_166#3] : memref<2048xf32, #tpu.memory_space<vmem>>[vector<16xi32>], vector<16xf32>,
        %broadcast_in_dim3A_221 = vector.broadcast %scan3A_63 : f32 to vector<16xf32>
        %select_n3A_222 = arith.select %lt3A_59, %gather3A_218, %broadcast_in_dim3A_221 : vector<16xi1>, vector<16xf32>
        %reduce_sum3A_223 = arith.constant true
        %reduce_sum3A_224 = vector.broadcast %reduce_sum3A_223 : i1 to vector<16xi1>
        %reduce_sum3A_225 = tpu.scan <sum>, %select_n3A_222 masked %reduce_sum3A_224 : vector<16xf32>, vector<16xi1> -> vector<16xf32>
        %reduce_sum3A_226 = vector.extract %reduce_sum3A_225[15] : f32 from vector<16xf32>
        %broadcast_in_dim3A_227 = vector.broadcast %reduce_sum3A_226 : f32 to vector<16xf32>
        %select_n3A_228 = arith.select %eq3A_179, %broadcast_in_dim3A_227, %select_n3A_201 : vector<16xi1>, vector<16xf32>
        %broadcast_in_dim3A_229 = vector.broadcast %scan3A_63 : f32 to vector<16xf32>
        %select_n3A_230 = arith.select %lt3A_59, %gather3A_219, %broadcast_in_dim3A_229 : vector<16xi1>, vector<16xf32>
        %reduce_sum3A_231 = arith.constant true
        %reduce_sum3A_232 = vector.broadcast %reduce_sum3A_231 : i1 to vector<16xi1>
        %reduce_sum3A_233 = tpu.scan <sum>, %select_n3A_230 masked %reduce_sum3A_232 : vector<16xf32>, vector<16xi1> -> vector<16xf32>
        %reduce_sum3A_234 = vector.extract %reduce_sum3A_233[15] : f32 from vector<16xf32>
        %broadcast_in_dim3A_235 = vector.broadcast %reduce_sum3A_234 : f32 to vector<16xf32>
        %select_n3A_236 = arith.select %eq3A_179, %broadcast_in_dim3A_235, %select_n3A_209 : vector<16xi1>, vector<16xf32>
        %broadcast_in_dim3A_237 = vector.broadcast %scan3A_63 : f32 to vector<16xf32>
        %select_n3A_238 = arith.select %lt3A_59, %gather3A_220, %broadcast_in_dim3A_237 : vector<16xi1>, vector<16xf32>
        %reduce_sum3A_239 = arith.constant true
        %reduce_sum3A_240 = vector.broadcast %reduce_sum3A_239 : i1 to vector<16xi1>
        %reduce_sum3A_241 = tpu.scan <sum>, %select_n3A_238 masked %reduce_sum3A_240 : vector<16xf32>, vector<16xi1> -> vector<16xf32>
        %reduce_sum3A_242 = vector.extract %reduce_sum3A_241[15] : f32 from vector<16xf32>
        %broadcast_in_dim3A_243 = vector.broadcast %reduce_sum3A_242 : f32 to vector<16xf32>
        %select_n3A_244 = arith.select %eq3A_179, %broadcast_in_dim3A_243, %select_n3A_217 : vector<16xi1>, vector<16xf32>
        %gather3A_245 = tpu.vector_load_idx %arg4[%scan3A_166#5] : memref<2048xf32, #tpu.memory_space<vmem>>[vector<16xi32>], vector<16xf32>,
        %gather3A_246 = tpu.vector_load_idx %arg5[%scan3A_166#5] : memref<2048xf32, #tpu.memory_space<vmem>>[vector<16xi32>], vector<16xf32>,
        %gather3A_247 = tpu.vector_load_idx %arg6[%scan3A_166#5] : memref<2048xf32, #tpu.memory_space<vmem>>[vector<16xi32>], vector<16xf32>,
        %broadcast_in_dim3A_248 = vector.broadcast %scan3A_63 : f32 to vector<16xf32>
        %select_n3A_249 = arith.select %lt3A_59, %gather3A_245, %broadcast_in_dim3A_248 : vector<16xi1>, vector<16xf32>
        %reduce_sum3A_250 = arith.constant true
        %reduce_sum3A_251 = vector.broadcast %reduce_sum3A_250 : i1 to vector<16xi1>
        %reduce_sum3A_252 = tpu.scan <sum>, %select_n3A_249 masked %reduce_sum3A_251 : vector<16xf32>, vector<16xi1> -> vector<16xf32>
        %reduce_sum3A_253 = vector.extract %reduce_sum3A_252[15] : f32 from vector<16xf32>
        %broadcast_in_dim3A_254 = vector.broadcast %reduce_sum3A_253 : f32 to vector<16xf32>
        %select_n3A_255 = arith.select %eq3A_185, %broadcast_in_dim3A_254, %select_n3A_228 : vector<16xi1>, vector<16xf32>
        %broadcast_in_dim3A_256 = vector.broadcast %scan3A_63 : f32 to vector<16xf32>
        %select_n3A_257 = arith.select %lt3A_59, %gather3A_246, %broadcast_in_dim3A_256 : vector<16xi1>, vector<16xf32>
        %reduce_sum3A_258 = arith.constant true
        %reduce_sum3A_259 = vector.broadcast %reduce_sum3A_258 : i1 to vector<16xi1>
        %reduce_sum3A_260 = tpu.scan <sum>, %select_n3A_257 masked %reduce_sum3A_259 : vector<16xf32>, vector<16xi1> -> vector<16xf32>
        %reduce_sum3A_261 = vector.extract %reduce_sum3A_260[15] : f32 from vector<16xf32>
        %broadcast_in_dim3A_262 = vector.broadcast %reduce_sum3A_261 : f32 to vector<16xf32>
        %select_n3A_263 = arith.select %eq3A_185, %broadcast_in_dim3A_262, %select_n3A_236 : vector<16xi1>, vector<16xf32>
        %broadcast_in_dim3A_264 = vector.broadcast %scan3A_63 : f32 to vector<16xf32>
        %select_n3A_265 = arith.select %lt3A_59, %gather3A_247, %broadcast_in_dim3A_264 : vector<16xi1>, vector<16xf32>
        %reduce_sum3A_266 = arith.constant true
        %reduce_sum3A_267 = vector.broadcast %reduce_sum3A_266 : i1 to vector<16xi1>
        %reduce_sum3A_268 = tpu.scan <sum>, %select_n3A_265 masked %reduce_sum3A_267 : vector<16xf32>, vector<16xi1> -> vector<16xf32>
        %reduce_sum3A_269 = vector.extract %reduce_sum3A_268[15] : f32 from vector<16xf32>
        %broadcast_in_dim3A_270 = vector.broadcast %reduce_sum3A_269 : f32 to vector<16xf32>
        %select_n3A_271 = arith.select %eq3A_185, %broadcast_in_dim3A_270, %select_n3A_244 : vector<16xi1>, vector<16xf32>
        %gather3A_272 = tpu.vector_load_idx %arg4[%scan3A_166#7] : memref<2048xf32, #tpu.memory_space<vmem>>[vector<16xi32>], vector<16xf32>,
        %gather3A_273 = tpu.vector_load_idx %arg5[%scan3A_166#7] : memref<2048xf32, #tpu.memory_space<vmem>>[vector<16xi32>], vector<16xf32>,
        %gather3A_274 = tpu.vector_load_idx %arg6[%scan3A_166#7] : memref<2048xf32, #tpu.memory_space<vmem>>[vector<16xi32>], vector<16xf32>,
        %broadcast_in_dim3A_275 = vector.broadcast %scan3A_63 : f32 to vector<16xf32>
        %select_n3A_276 = arith.select %lt3A_59, %gather3A_272, %broadcast_in_dim3A_275 : vector<16xi1>, vector<16xf32>
        %reduce_sum3A_277 = arith.constant true
        %reduce_sum3A_278 = vector.broadcast %reduce_sum3A_277 : i1 to vector<16xi1>
        %reduce_sum3A_279 = tpu.scan <sum>, %select_n3A_276 masked %reduce_sum3A_278 : vector<16xf32>, vector<16xi1> -> vector<16xf32>
        %reduce_sum3A_280 = vector.extract %reduce_sum3A_279[15] : f32 from vector<16xf32>
        %broadcast_in_dim3A_281 = vector.broadcast %reduce_sum3A_280 : f32 to vector<16xf32>
        %select_n3A_282 = arith.select %eq3A_191, %broadcast_in_dim3A_281, %select_n3A_255 : vector<16xi1>, vector<16xf32>
        %broadcast_in_dim3A_283 = vector.broadcast %scan3A_63 : f32 to vector<16xf32>
        %select_n3A_284 = arith.select %lt3A_59, %gather3A_273, %broadcast_in_dim3A_283 : vector<16xi1>, vector<16xf32>
        %reduce_sum3A_285 = arith.constant true
        %reduce_sum3A_286 = vector.broadcast %reduce_sum3A_285 : i1 to vector<16xi1>
        %reduce_sum3A_287 = tpu.scan <sum>, %select_n3A_284 masked %reduce_sum3A_286 : vector<16xf32>, vector<16xi1> -> vector<16xf32>
        %reduce_sum3A_288 = vector.extract %reduce_sum3A_287[15] : f32 from vector<16xf32>
        %broadcast_in_dim3A_289 = vector.broadcast %reduce_sum3A_288 : f32 to vector<16xf32>
        %select_n3A_290 = arith.select %eq3A_191, %broadcast_in_dim3A_289, %select_n3A_263 : vector<16xi1>, vector<16xf32>
        %broadcast_in_dim3A_291 = vector.broadcast %scan3A_63 : f32 to vector<16xf32>
        %select_n3A_292 = arith.select %lt3A_59, %gather3A_274, %broadcast_in_dim3A_291 : vector<16xi1>, vector<16xf32>
        %reduce_sum3A_293 = arith.constant true
        %reduce_sum3A_294 = vector.broadcast %reduce_sum3A_293 : i1 to vector<16xi1>
        %reduce_sum3A_295 = tpu.scan <sum>, %select_n3A_292 masked %reduce_sum3A_294 : vector<16xf32>, vector<16xi1> -> vector<16xf32>
        %reduce_sum3A_296 = vector.extract %reduce_sum3A_295[15] : f32 from vector<16xf32>
        %broadcast_in_dim3A_297 = vector.broadcast %reduce_sum3A_296 : f32 to vector<16xf32>
        %select_n3A_298 = arith.select %eq3A_191, %broadcast_in_dim3A_297, %select_n3A_271 : vector<16xi1>, vector<16xf32>
        scf.yield %select_n3A_282, %select_n3A_290, %select_n3A_298 : vector<16xf32>, vector<16xf32>, vector<16xf32>
      }
      %scan3A_105 = arith.constant 4 : i32
      %mul3A_106 = arith.constant 16 : i32
      %mul3A_107 = arith.muli %scan3A_92, %mul3A_106 : i32
      %swap3A = arith.index_cast %mul3A_107 : i32 to index
      %swap3A_108 = tpu.vector_load %arg11[%swap3A] {strides = array<i32>} : memref<640xf32, #tpu.memory_space<vmem>>, vector<16xf32>,
      tpu.vector_store %arg11[%swap3A], %scan3A_104#0 {strides = array<i32>} : memref<640xf32, #tpu.memory_space<vmem>>, vector<16xf32>,
      %swap3A_109 = arith.index_cast %mul3A_107 : i32 to index
      %swap3A_110 = tpu.vector_load %arg12[%swap3A_109] {strides = array<i32>} : memref<640xf32, #tpu.memory_space<vmem>>, vector<16xf32>,
      tpu.vector_store %arg12[%swap3A_109], %scan3A_104#1 {strides = array<i32>} : memref<640xf32, #tpu.memory_space<vmem>>, vector<16xf32>,
      %swap3A_111 = arith.index_cast %mul3A_107 : i32 to index
      %swap3A_112 = tpu.vector_load %arg13[%swap3A_111] {strides = array<i32>} : memref<640xf32, #tpu.memory_space<vmem>>, vector<16xf32>,
      tpu.vector_store %arg13[%swap3A_111], %scan3A_104#2 {strides = array<i32>} : memref<640xf32, #tpu.memory_space<vmem>>, vector<16xf32>,
      %scan3A_113 = arith.constant 0 : i32
      scf.yield %scan3A_113 : i32
    }
    %scan3A_70 = arith.constant 40 : i32
    %mul3A_71 = arith.constant 3 : i32
    %mul3A_72 = arith.muli %select_n3A, %mul3A_71 : i32
    %add3A_73 = arith.constant 0 : i32
    %add3A_74 = arith.addi %mul3A_72, %add3A_73 : i32
    %mul3A_75 = arith.constant 1280 : i32
    %mul3A_76 = arith.muli %add3A_74, %mul3A_75 : i32
    %add3A_77 = arith.addi %mul3A_76, %mul3A_32 : i32
    "tpu.region"() ({
      %run_scoped3A = tpu.sem_alloc : memref<!tpu.dma_semaphore, #tpu.memory_space<semaphore_mem>>
      %dma_start3A = tpu.memref_slice %arg3[%add3A_77] : memref<61440xf32, #tpu.memory_space<hbm>> -> memref<640xf32, #tpu.memory_space<hbm>>
      %dma_start3A_92 = tpu.memref_slice %arg3[%add3A_77] : memref<61440xf32, #tpu.memory_space<hbm>> -> memref<640xf32, #tpu.memory_space<hbm>>
      tpu.enqueue_dma source(%arg11 : memref<640xf32, #tpu.memory_space<vmem>>) target(%dma_start3A_92 : memref<640xf32, #tpu.memory_space<hbm>>) target_semaphore(%run_scoped3A : memref<!tpu.dma_semaphore, #tpu.memory_space<semaphore_mem>>)
      %dma_wait3A = tpu.memref_slice %arg3[%add3A_77] : memref<61440xf32, #tpu.memory_space<hbm>> -> memref<640xf32, #tpu.memory_space<hbm>>
      %dma_wait3A_93 = tpu.memref_slice %arg3[%add3A_77] : memref<61440xf32, #tpu.memory_space<hbm>> -> memref<640xf32, #tpu.memory_space<hbm>>
      tpu.wait_dma2 semaphore(%run_scoped3A : memref<!tpu.dma_semaphore, #tpu.memory_space<semaphore_mem>>) src(%arg11 : memref<640xf32, #tpu.memory_space<vmem>>) dst(%dma_wait3A_93 : memref<640xf32, #tpu.memory_space<hbm>>)
      tpu.yield
    }) : () -> ()
    %mul3A_78 = arith.constant 3 : i32
    %mul3A_79 = arith.muli %select_n3A, %mul3A_78 : i32
    %add3A_80 = arith.constant 1 : i32
    %add3A_81 = arith.addi %mul3A_79, %add3A_80 : i32
    %mul3A_82 = arith.constant 1280 : i32
    %mul3A_83 = arith.muli %add3A_81, %mul3A_82 : i32
    %add3A_84 = arith.addi %mul3A_83, %mul3A_32 : i32
    "tpu.region"() ({
      %run_scoped3A = tpu.sem_alloc : memref<!tpu.dma_semaphore, #tpu.memory_space<semaphore_mem>>
      %dma_start3A = tpu.memref_slice %arg3[%add3A_84] : memref<61440xf32, #tpu.memory_space<hbm>> -> memref<640xf32, #tpu.memory_space<hbm>>
      %dma_start3A_92 = tpu.memref_slice %arg3[%add3A_84] : memref<61440xf32, #tpu.memory_space<hbm>> -> memref<640xf32, #tpu.memory_space<hbm>>
      tpu.enqueue_dma source(%arg12 : memref<640xf32, #tpu.memory_space<vmem>>) target(%dma_start3A_92 : memref<640xf32, #tpu.memory_space<hbm>>) target_semaphore(%run_scoped3A : memref<!tpu.dma_semaphore, #tpu.memory_space<semaphore_mem>>)
      %dma_wait3A = tpu.memref_slice %arg3[%add3A_84] : memref<61440xf32, #tpu.memory_space<hbm>> -> memref<640xf32, #tpu.memory_space<hbm>>
      %dma_wait3A_93 = tpu.memref_slice %arg3[%add3A_84] : memref<61440xf32, #tpu.memory_space<hbm>> -> memref<640xf32, #tpu.memory_space<hbm>>
      tpu.wait_dma2 semaphore(%run_scoped3A : memref<!tpu.dma_semaphore, #tpu.memory_space<semaphore_mem>>) src(%arg12 : memref<640xf32, #tpu.memory_space<vmem>>) dst(%dma_wait3A_93 : memref<640xf32, #tpu.memory_space<hbm>>)
      tpu.yield
    }) : () -> ()
    %mul3A_85 = arith.constant 3 : i32
    %mul3A_86 = arith.muli %select_n3A, %mul3A_85 : i32
    %add3A_87 = arith.constant 2 : i32
    %add3A_88 = arith.addi %mul3A_86, %add3A_87 : i32
    %mul3A_89 = arith.constant 1280 : i32
    %mul3A_90 = arith.muli %add3A_88, %mul3A_89 : i32
    %add3A_91 = arith.addi %mul3A_90, %mul3A_32 : i32
    "tpu.region"() ({
      %run_scoped3A = tpu.sem_alloc : memref<!tpu.dma_semaphore, #tpu.memory_space<semaphore_mem>>
      %dma_start3A = tpu.memref_slice %arg3[%add3A_91] : memref<61440xf32, #tpu.memory_space<hbm>> -> memref<640xf32, #tpu.memory_space<hbm>>
      %dma_start3A_92 = tpu.memref_slice %arg3[%add3A_91] : memref<61440xf32, #tpu.memory_space<hbm>> -> memref<640xf32, #tpu.memory_space<hbm>>
      tpu.enqueue_dma source(%arg13 : memref<640xf32, #tpu.memory_space<vmem>>) target(%dma_start3A_92 : memref<640xf32, #tpu.memory_space<hbm>>) target_semaphore(%run_scoped3A : memref<!tpu.dma_semaphore, #tpu.memory_space<semaphore_mem>>)
      %dma_wait3A = tpu.memref_slice %arg3[%add3A_91] : memref<61440xf32, #tpu.memory_space<hbm>> -> memref<640xf32, #tpu.memory_space<hbm>>
      %dma_wait3A_93 = tpu.memref_slice %arg3[%add3A_91] : memref<61440xf32, #tpu.memory_space<hbm>> -> memref<640xf32, #tpu.memory_space<hbm>>
      tpu.wait_dma2 semaphore(%run_scoped3A : memref<!tpu.dma_semaphore, #tpu.memory_space<semaphore_mem>>) src(%arg13 : memref<640xf32, #tpu.memory_space<vmem>>) dst(%dma_wait3A_93 : memref<640xf32, #tpu.memory_space<hbm>>)
      tpu.yield
    }) : () -> ()
    return
  }
}

module attributes {stable_mosaic.version = 14 : i64} {
  func.func @_tc_knn_kernel(%arg0: i32, %arg1: memref<1x2048x6xf32, #tpu.memory_space<vmem>>, %arg2: memref<1x6x2048xf32, #tpu.memory_space<vmem>>, %arg3: memref<1x2x3x768xf32, #tpu.memory_space<vmem>>) attributes {dimension_semantics = [#tpu.dimension_semantics<arbitrary>], iteration_bounds = array<i64: 8>, scalar_prefetch = 0 : i64, scratch_operands = 0 : i64, tpu.core_type = #tpu.core_type<tc>, window_params = [{transform_indices = @transform_0, window_bounds = array<i64: 1, 2048, 6>}, {transform_indices = @transform_1, window_bounds = array<i64: 1, 6, 2048>}, {transform_indices = @transform_2, window_bounds = array<i64: 1, 2, 3, 768>}]} {
    %get3A = arith.constant 0 : index
    %get3A_0 = arith.constant 0 : index
    %get3A_1 = arith.constant 0 : index
    %get3A_2 = vector.load %arg1[%get3A, %get3A_0, %get3A_1] : memref<1x2048x6xf32, #tpu.memory_space<vmem>>, vector<1x2048x6xf32>
    %get3A_3 = vector.shape_cast %get3A_2 : vector<1x2048x6xf32> to vector<2048x6xf32>
    %get3A_4 = arith.constant 0 : index
    %get3A_5 = arith.constant 0 : index
    %get3A_6 = arith.constant 0 : index
    %get3A_7 = vector.load %arg2[%get3A_4, %get3A_5, %get3A_6] : memref<1x6x2048xf32, #tpu.memory_space<vmem>>, vector<1x6x2048xf32>
    %get3A_8 = vector.shape_cast %get3A_7 : vector<1x6x2048xf32> to vector<6x2048xf32>
    %slice3A = vector.extract_strided_slice %get3A_3 {offsets = [0, 0], sizes = [2048, 3], strides = [1, 1]} : vector<2048x6xf32> to vector<2048x3xf32>
    %slice3A_9 = vector.extract_strided_slice %get3A_8 {offsets = [0, 0], sizes = [3, 2048], strides = [1, 1]} : vector<6x2048xf32> to vector<3x2048xf32>
    %mul3A = arith.mulf %slice3A, %slice3A : vector<2048x3xf32>
    %reduce_sum3A = arith.constant dense<0.000000e+00> : vector<2048xf32>
    %reduce_sum3A_10 = vector.multi_reduction <add>, %mul3A, %reduce_sum3A [1] : vector<2048x3xf32> to vector<2048xf32>
    %broadcast_in_dim3A = vector.shape_cast %reduce_sum3A_10 : vector<2048xf32> to vector<2048x1xf32>
    %slice3A_11 = vector.extract_strided_slice %slice3A_9 {offsets = [0, 1280], sizes = [3, 768], strides = [1, 1]} : vector<3x2048xf32> to vector<3x768xf32>
    %mul3A_12 = arith.mulf %slice3A_11, %slice3A_11 : vector<3x768xf32>
    %reduce_sum3A_13 = arith.constant dense<0.000000e+00> : vector<768xf32>
    %reduce_sum3A_14 = vector.multi_reduction <add>, %mul3A_12, %reduce_sum3A_13 [0] : vector<3x768xf32> to vector<768xf32>
    %broadcast_in_dim3A_15 = vector.shape_cast %reduce_sum3A_14 : vector<768xf32> to vector<1x768xf32>
    %dot_general3A = arith.constant dense<0.000000e+00> : vector<2048x768xf32>
    %dot_general3A_16 = tpu.matmul %slice3A, %slice3A_11, %dot_general3A {dimension_numbers = #tpu.dot_dimension_numbers<[1], [0], [0], [1], [0, 0, 1, 1], [], []>, transpose_lhs_hint = false} : vector<2048x3xf32>, vector<3x768xf32>, vector<2048x768xf32> -> vector<2048x768xf32>
    %mul3A_17 = arith.constant -2.000000e+00 : f32
    %mul3A_18 = vector.broadcast %mul3A_17 : f32 to vector<2048x768xf32>
    %mul3A_19 = arith.mulf %mul3A_18, %dot_general3A_16 : vector<2048x768xf32>
    %neg3A = arith.constant 0.000000e+00 : f32
    %neg3A_20 = vector.broadcast %neg3A : f32 to vector<1x768xf32>
    %neg3A_21 = arith.subf %neg3A_20, %broadcast_in_dim3A_15 : vector<1x768xf32>
    %sub3A = vector.broadcast %neg3A_21 : vector<1x768xf32> to vector<2048x768xf32>
    %sub3A_22 = arith.subf %sub3A, %mul3A_19 : vector<2048x768xf32>
    %sub3A_23 = vector.broadcast %broadcast_in_dim3A : vector<2048x1xf32> to vector<2048x768xf32>
    %sub3A_24 = arith.subf %sub3A_22, %sub3A_23 : vector<2048x768xf32>
    %broadcast_in_dim3A_25 = arith.constant 0.000000e+00 : f32
    %broadcast_in_dim3A_26 = vector.broadcast %broadcast_in_dim3A_25 : f32 to vector<3x768xf32>
    %scan3A = arith.constant 0 : i32
    %scan3A_27 = arith.constant 10 : i32
    %scan3A_28 = arith.addi %scan3A, %scan3A_27 : i32
    %scan3A_29 = arith.constant 1 : i32
    %scan3A_30:2 = scf.for %scan3A_74 = %scan3A to %scan3A_28 step %scan3A_29 iter_args(%scan3A_75 = %sub3A_24, %scan3A_76 = %broadcast_in_dim3A_26) -> (vector<2048x768xf32>, vector<3x768xf32>)  : i32 {
      %reduce_max3A = arith.constant dense<0xFF800000> : vector<768xf32>
      %reduce_max3A_77 = vector.multi_reduction <maximumf>, %scan3A_75, %reduce_max3A [0] : vector<2048x768xf32> to vector<768xf32>
      %broadcast_in_dim3A_78 = vector.shape_cast %reduce_max3A_77 : vector<768xf32> to vector<1x768xf32>
      %eq3A = vector.broadcast %broadcast_in_dim3A_78 : vector<1x768xf32> to vector<2048x768xf32>
      %eq3A_79 = arith.cmpf oeq, %scan3A_75, %eq3A : vector<2048x768xf32>
      %jit3A = arith.constant 1.000000e+00 : f32
      %jit3A_80 = arith.constant 0.000000e+00 : f32
      %broadcast_in_dim3A_81 = vector.broadcast %jit3A : f32 to vector<2048x768xf32>
      %broadcast_in_dim3A_82 = vector.broadcast %jit3A_80 : f32 to vector<2048x768xf32>
      %select_n3A = arith.select %eq3A_79, %broadcast_in_dim3A_81, %broadcast_in_dim3A_82 : vector<2048x768xi1>, vector<2048x768xf32>
      %dot_general3A_83 = arith.constant dense<0.000000e+00> : vector<3x768xf32>
      %dot_general3A_84 = tpu.matmul %slice3A_9, %select_n3A, %dot_general3A_83 {dimension_numbers = #tpu.dot_dimension_numbers<[1], [0], [0], [1], [0, 0, 1, 1], [], []>, transpose_lhs_hint = false} : vector<3x2048xf32>, vector<2048x768xf32>, vector<3x768xf32> -> vector<3x768xf32>
      %add3A = arith.addf %scan3A_76, %dot_general3A_84 : vector<3x768xf32>
      %jit3A_85 = arith.constant -3.000000e+38 : f32
      %broadcast_in_dim3A_86 = vector.broadcast %jit3A_85 : f32 to vector<2048x768xf32>
      %select_n3A_87 = arith.select %eq3A_79, %broadcast_in_dim3A_86, %scan3A_75 : vector<2048x768xi1>, vector<2048x768xf32>
      scf.yield %select_n3A_87, %add3A : vector<2048x768xf32>, vector<3x768xf32>
    }
    %swap3A = arith.constant 0 : index
    %swap3A_31 = arith.constant 0 : index
    %swap3A_32 = arith.constant 0 : index
    %swap3A_33 = arith.constant 0 : index
    %swap3A_34 = vector.load %arg3[%swap3A, %swap3A_31, %swap3A_32, %swap3A_33] : memref<1x2x3x768xf32, #tpu.memory_space<vmem>>, vector<1x1x3x768xf32>
    %swap3A_35 = vector.shape_cast %swap3A_34 : vector<1x1x3x768xf32> to vector<3x768xf32>
    %swap3A_36 = vector.shape_cast %scan3A_30#1 : vector<3x768xf32> to vector<1x1x3x768xf32>
    tpu.vector_store %arg3[%swap3A, %swap3A_31, %swap3A_32, %swap3A_33], %swap3A_36 {strides = array<i32>} : memref<1x2x3x768xf32, #tpu.memory_space<vmem>>, vector<1x1x3x768xf32>,
    %slice3A_37 = vector.extract_strided_slice %get3A_3 {offsets = [0, 3], sizes = [2048, 3], strides = [1, 1]} : vector<2048x6xf32> to vector<2048x3xf32>
    %slice3A_38 = vector.extract_strided_slice %get3A_8 {offsets = [3, 0], sizes = [3, 2048], strides = [1, 1]} : vector<6x2048xf32> to vector<3x2048xf32>
    %mul3A_39 = arith.mulf %slice3A_37, %slice3A_37 : vector<2048x3xf32>
    %reduce_sum3A_40 = arith.constant dense<0.000000e+00> : vector<2048xf32>
    %reduce_sum3A_41 = vector.multi_reduction <add>, %mul3A_39, %reduce_sum3A_40 [1] : vector<2048x3xf32> to vector<2048xf32>
    %broadcast_in_dim3A_42 = vector.shape_cast %reduce_sum3A_41 : vector<2048xf32> to vector<2048x1xf32>
    %slice3A_43 = vector.extract_strided_slice %slice3A_38 {offsets = [0, 1280], sizes = [3, 768], strides = [1, 1]} : vector<3x2048xf32> to vector<3x768xf32>
    %mul3A_44 = arith.mulf %slice3A_43, %slice3A_43 : vector<3x768xf32>
    %reduce_sum3A_45 = arith.constant dense<0.000000e+00> : vector<768xf32>
    %reduce_sum3A_46 = vector.multi_reduction <add>, %mul3A_44, %reduce_sum3A_45 [0] : vector<3x768xf32> to vector<768xf32>
    %broadcast_in_dim3A_47 = vector.shape_cast %reduce_sum3A_46 : vector<768xf32> to vector<1x768xf32>
    %dot_general3A_48 = arith.constant dense<0.000000e+00> : vector<2048x768xf32>
    %dot_general3A_49 = tpu.matmul %slice3A_37, %slice3A_43, %dot_general3A_48 {dimension_numbers = #tpu.dot_dimension_numbers<[1], [0], [0], [1], [0, 0, 1, 1], [], []>, transpose_lhs_hint = false} : vector<2048x3xf32>, vector<3x768xf32>, vector<2048x768xf32> -> vector<2048x768xf32>
    %mul3A_50 = arith.constant -2.000000e+00 : f32
    %mul3A_51 = vector.broadcast %mul3A_50 : f32 to vector<2048x768xf32>
    %mul3A_52 = arith.mulf %mul3A_51, %dot_general3A_49 : vector<2048x768xf32>
    %neg3A_53 = arith.constant 0.000000e+00 : f32
    %neg3A_54 = vector.broadcast %neg3A_53 : f32 to vector<1x768xf32>
    %neg3A_55 = arith.subf %neg3A_54, %broadcast_in_dim3A_47 : vector<1x768xf32>
    %sub3A_56 = vector.broadcast %neg3A_55 : vector<1x768xf32> to vector<2048x768xf32>
    %sub3A_57 = arith.subf %sub3A_56, %mul3A_52 : vector<2048x768xf32>
    %sub3A_58 = vector.broadcast %broadcast_in_dim3A_42 : vector<2048x1xf32> to vector<2048x768xf32>
    %sub3A_59 = arith.subf %sub3A_57, %sub3A_58 : vector<2048x768xf32>
    %broadcast_in_dim3A_60 = arith.constant 0.000000e+00 : f32
    %broadcast_in_dim3A_61 = vector.broadcast %broadcast_in_dim3A_60 : f32 to vector<3x768xf32>
    %scan3A_62 = arith.constant 0 : i32
    %scan3A_63 = arith.constant 10 : i32
    %scan3A_64 = arith.addi %scan3A_62, %scan3A_63 : i32
    %scan3A_65 = arith.constant 1 : i32
    %scan3A_66:2 = scf.for %scan3A_74 = %scan3A_62 to %scan3A_64 step %scan3A_65 iter_args(%scan3A_75 = %sub3A_59, %scan3A_76 = %broadcast_in_dim3A_61) -> (vector<2048x768xf32>, vector<3x768xf32>)  : i32 {
      %reduce_max3A = arith.constant dense<0xFF800000> : vector<768xf32>
      %reduce_max3A_77 = vector.multi_reduction <maximumf>, %scan3A_75, %reduce_max3A [0] : vector<2048x768xf32> to vector<768xf32>
      %broadcast_in_dim3A_78 = vector.shape_cast %reduce_max3A_77 : vector<768xf32> to vector<1x768xf32>
      %eq3A = vector.broadcast %broadcast_in_dim3A_78 : vector<1x768xf32> to vector<2048x768xf32>
      %eq3A_79 = arith.cmpf oeq, %scan3A_75, %eq3A : vector<2048x768xf32>
      %jit3A = arith.constant 1.000000e+00 : f32
      %jit3A_80 = arith.constant 0.000000e+00 : f32
      %broadcast_in_dim3A_81 = vector.broadcast %jit3A : f32 to vector<2048x768xf32>
      %broadcast_in_dim3A_82 = vector.broadcast %jit3A_80 : f32 to vector<2048x768xf32>
      %select_n3A = arith.select %eq3A_79, %broadcast_in_dim3A_81, %broadcast_in_dim3A_82 : vector<2048x768xi1>, vector<2048x768xf32>
      %dot_general3A_83 = arith.constant dense<0.000000e+00> : vector<3x768xf32>
      %dot_general3A_84 = tpu.matmul %slice3A_38, %select_n3A, %dot_general3A_83 {dimension_numbers = #tpu.dot_dimension_numbers<[1], [0], [0], [1], [0, 0, 1, 1], [], []>, transpose_lhs_hint = false} : vector<3x2048xf32>, vector<2048x768xf32>, vector<3x768xf32> -> vector<3x768xf32>
      %add3A = arith.addf %scan3A_76, %dot_general3A_84 : vector<3x768xf32>
      %jit3A_85 = arith.constant -3.000000e+38 : f32
      %broadcast_in_dim3A_86 = vector.broadcast %jit3A_85 : f32 to vector<2048x768xf32>
      %select_n3A_87 = arith.select %eq3A_79, %broadcast_in_dim3A_86, %scan3A_75 : vector<2048x768xi1>, vector<2048x768xf32>
      scf.yield %select_n3A_87, %add3A : vector<2048x768xf32>, vector<3x768xf32>
    }
    %swap3A_67 = arith.constant 0 : index
    %swap3A_68 = arith.constant 1 : index
    %swap3A_69 = arith.constant 0 : index
    %swap3A_70 = arith.constant 0 : index
    %swap3A_71 = vector.load %arg3[%swap3A_67, %swap3A_68, %swap3A_69, %swap3A_70] : memref<1x2x3x768xf32, #tpu.memory_space<vmem>>, vector<1x1x3x768xf32>
    %swap3A_72 = vector.shape_cast %swap3A_71 : vector<1x1x3x768xf32> to vector<3x768xf32>
    %swap3A_73 = vector.shape_cast %scan3A_66#1 : vector<3x768xf32> to vector<1x1x3x768xf32>
    tpu.vector_store %arg3[%swap3A_67, %swap3A_68, %swap3A_69, %swap3A_70], %swap3A_73 {strides = array<i32>} : memref<1x2x3x768xf32, #tpu.memory_space<vmem>>, vector<1x1x3x768xf32>,
    return
  }
  func.func @transform_0(%arg0: i32) -> (i32, i32, i32) {
    %c0_i32 = arith.constant 0 : i32
    %c0_i32_0 = arith.constant 0 : i32
    %c0_i32_1 = arith.constant 0 : i32
    return %arg0, %c0_i32, %c0_i32_0 : i32, i32, i32
  }
  func.func @transform_1(%arg0: i32) -> (i32, i32, i32) {
    %c0_i32 = arith.constant 0 : i32
    %c0_i32_0 = arith.constant 0 : i32
    %c0_i32_1 = arith.constant 0 : i32
    return %arg0, %c0_i32, %c0_i32_0 : i32, i32, i32
  }
  func.func @transform_2(%arg0: i32) -> (i32, i32, i32, i32) {
    %c0_i32 = arith.constant 0 : i32
    %c0_i32_0 = arith.constant 0 : i32
    %c0_i32_1 = arith.constant 0 : i32
    %c0_i32_2 = arith.constant 0 : i32
    return %arg0, %c0_i32, %c0_i32_0, %c0_i32_1 : i32, i32, i32, i32
  }
}

module attributes {stable_mosaic.version = 14 : i64} {
  func.func @_dense_kernel(%arg0: i32, %arg1: memref<1x6x2048xf32, #tpu.memory_space<vmem>>, %arg2: memref<1x2x3x1280xf32, #tpu.memory_space<vmem>>, %arg3: memref<1x2x3x768xf32, #tpu.memory_space<vmem>>, %arg4: memref<32x6xf32, #tpu.memory_space<vmem>>, %arg5: memref<32x1xf32, #tpu.memory_space<vmem>>, %arg6: memref<32x6xf32, #tpu.memory_space<vmem>>, %arg7: memref<32x1xf32, #tpu.memory_space<vmem>>, %arg8: memref<64x32xf32, #tpu.memory_space<vmem>>, %arg9: memref<64x1xf32, #tpu.memory_space<vmem>>, %arg10: memref<64x1xf32, #tpu.memory_space<vmem>>, %arg11: memref<64x1xf32, #tpu.memory_space<vmem>>, %arg12: memref<128x64xf32, #tpu.memory_space<vmem>>, %arg13: memref<128x1xf32, #tpu.memory_space<vmem>>, %arg14: memref<128x1xf32, #tpu.memory_space<vmem>>, %arg15: memref<128x1xf32, #tpu.memory_space<vmem>>, %arg16: memref<256x128xf32, #tpu.memory_space<vmem>>, %arg17: memref<256x1xf32, #tpu.memory_space<vmem>>, %arg18: memref<64x32xf32, #tpu.memory_space<vmem>>, %arg19: memref<64x1xf32, #tpu.memory_space<vmem>>, %arg20: memref<64x1xf32, #tpu.memory_space<vmem>>, %arg21: memref<64x1xf32, #tpu.memory_space<vmem>>, %arg22: memref<128x64xf32, #tpu.memory_space<vmem>>, %arg23: memref<128x1xf32, #tpu.memory_space<vmem>>, %arg24: memref<128x1xf32, #tpu.memory_space<vmem>>, %arg25: memref<128x1xf32, #tpu.memory_space<vmem>>, %arg26: memref<256x128xf32, #tpu.memory_space<vmem>>, %arg27: memref<256x1xf32, #tpu.memory_space<vmem>>, %arg28: memref<512x512xf32, #tpu.memory_space<vmem>>, %arg29: memref<512x1xf32, #tpu.memory_space<vmem>>, %arg30: memref<512x1xf32, #tpu.memory_space<vmem>>, %arg31: memref<512x1xf32, #tpu.memory_space<vmem>>, %arg32: memref<512x512xf32, #tpu.memory_space<vmem>>, %arg33: memref<512x1xf32, #tpu.memory_space<vmem>>, %arg34: memref<1x512x2048xf32, #tpu.memory_space<vmem>>) attributes {dimension_semantics = [#tpu.dimension_semantics<arbitrary>], iteration_bounds = array<i64: 8>, scalar_prefetch = 0 : i64, scratch_operands = 0 : i64, tpu.core_type = #tpu.core_type<tc>, window_params = [{transform_indices = @transform_0, window_bounds = array<i64: 1, 6, 2048>}, {transform_indices = @transform_1, window_bounds = array<i64: 1, 2, 3, 1280>}, {transform_indices = @transform_2, window_bounds = array<i64: 1, 2, 3, 768>}, {pipeline_mode = #tpu.pipeline_mode<synchronous>, transform_indices = @transform_3, window_bounds = array<i64: 32, 6>}, {pipeline_mode = #tpu.pipeline_mode<synchronous>, transform_indices = @transform_4, window_bounds = array<i64: 32, 1>}, {pipeline_mode = #tpu.pipeline_mode<synchronous>, transform_indices = @transform_5, window_bounds = array<i64: 32, 6>}, {pipeline_mode = #tpu.pipeline_mode<synchronous>, transform_indices = @transform_6, window_bounds = array<i64: 32, 1>}, {pipeline_mode = #tpu.pipeline_mode<synchronous>, transform_indices = @transform_7, window_bounds = array<i64: 64, 32>}, {pipeline_mode = #tpu.pipeline_mode<synchronous>, transform_indices = @transform_8, window_bounds = array<i64: 64, 1>}, {pipeline_mode = #tpu.pipeline_mode<synchronous>, transform_indices = @transform_9, window_bounds = array<i64: 64, 1>}, {pipeline_mode = #tpu.pipeline_mode<synchronous>, transform_indices = @transform_10, window_bounds = array<i64: 64, 1>}, {pipeline_mode = #tpu.pipeline_mode<synchronous>, transform_indices = @transform_11, window_bounds = array<i64: 128, 64>}, {pipeline_mode = #tpu.pipeline_mode<synchronous>, transform_indices = @transform_12, window_bounds = array<i64: 128, 1>}, {pipeline_mode = #tpu.pipeline_mode<synchronous>, transform_indices = @transform_13, window_bounds = array<i64: 128, 1>}, {pipeline_mode = #tpu.pipeline_mode<synchronous>, transform_indices = @transform_14, window_bounds = array<i64: 128, 1>}, {pipeline_mode = #tpu.pipeline_mode<synchronous>, transform_indices = @transform_15, window_bounds = array<i64: 256, 128>}, {pipeline_mode = #tpu.pipeline_mode<synchronous>, transform_indices = @transform_16, window_bounds = array<i64: 256, 1>}, {pipeline_mode = #tpu.pipeline_mode<synchronous>, transform_indices = @transform_17, window_bounds = array<i64: 64, 32>}, {pipeline_mode = #tpu.pipeline_mode<synchronous>, transform_indices = @transform_18, window_bounds = array<i64: 64, 1>}, {pipeline_mode = #tpu.pipeline_mode<synchronous>, transform_indices = @transform_19, window_bounds = array<i64: 64, 1>}, {pipeline_mode = #tpu.pipeline_mode<synchronous>, transform_indices = @transform_20, window_bounds = array<i64: 64, 1>}, {pipeline_mode = #tpu.pipeline_mode<synchronous>, transform_indices = @transform_21, window_bounds = array<i64: 128, 64>}, {pipeline_mode = #tpu.pipeline_mode<synchronous>, transform_indices = @transform_22, window_bounds = array<i64: 128, 1>}, {pipeline_mode = #tpu.pipeline_mode<synchronous>, transform_indices = @transform_23, window_bounds = array<i64: 128, 1>}, {pipeline_mode = #tpu.pipeline_mode<synchronous>, transform_indices = @transform_24, window_bounds = array<i64: 128, 1>}, {pipeline_mode = #tpu.pipeline_mode<synchronous>, transform_indices = @transform_25, window_bounds = array<i64: 256, 128>}, {pipeline_mode = #tpu.pipeline_mode<synchronous>, transform_indices = @transform_26, window_bounds = array<i64: 256, 1>}, {pipeline_mode = #tpu.pipeline_mode<synchronous>, transform_indices = @transform_27, window_bounds = array<i64: 512, 512>}, {pipeline_mode = #tpu.pipeline_mode<synchronous>, transform_indices = @transform_28, window_bounds = array<i64: 512, 1>}, {pipeline_mode = #tpu.pipeline_mode<synchronous>, transform_indices = @transform_29, window_bounds = array<i64: 512, 1>}, {pipeline_mode = #tpu.pipeline_mode<synchronous>, transform_indices = @transform_30, window_bounds = array<i64: 512, 1>}, {pipeline_mode = #tpu.pipeline_mode<synchronous>, transform_indices = @transform_31, window_bounds = array<i64: 512, 512>}, {pipeline_mode = #tpu.pipeline_mode<synchronous>, transform_indices = @transform_32, window_bounds = array<i64: 512, 1>}, {transform_indices = @transform_33, window_bounds = array<i64: 1, 512, 2048>}]} {
    %get3A = arith.constant 0 : index
    %get3A_0 = arith.constant 0 : index
    %get3A_1 = arith.constant 0 : index
    %get3A_2 = vector.load %arg1[%get3A, %get3A_0, %get3A_1] : memref<1x6x2048xf32, #tpu.memory_space<vmem>>, vector<1x6x2048xf32>
    %get3A_3 = vector.shape_cast %get3A_2 : vector<1x6x2048xf32> to vector<6x2048xf32>
    %get3A_4 = arith.constant 0 : index
    %get3A_5 = arith.constant 0 : index
    %get3A_6 = arith.constant 0 : index
    %get3A_7 = arith.constant 0 : index
    %get3A_8 = vector.load %arg2[%get3A_4, %get3A_5, %get3A_6, %get3A_7] : memref<1x2x3x1280xf32, #tpu.memory_space<vmem>>, vector<1x1x3x1280xf32>
    %get3A_9 = vector.shape_cast %get3A_8 : vector<1x1x3x1280xf32> to vector<3x1280xf32>
    %get3A_10 = arith.constant 0 : index
    %get3A_11 = arith.constant 0 : index
    %get3A_12 = arith.constant 0 : index
    %get3A_13 = arith.constant 0 : index
    %get3A_14 = vector.load %arg3[%get3A_10, %get3A_11, %get3A_12, %get3A_13] : memref<1x2x3x768xf32, #tpu.memory_space<vmem>>, vector<1x1x3x768xf32>
    %get3A_15 = vector.shape_cast %get3A_14 : vector<1x1x3x768xf32> to vector<3x768xf32>
    %concatenate3A = tpu.concatenate %get3A_9, %get3A_15 in 1 : vector<3x1280xf32>, vector<3x768xf32> -> vector<3x2048xf32>
    %mul3A = arith.constant 1.000000e-01 : f32
    %mul3A_16 = vector.broadcast %mul3A : f32 to vector<3x2048xf32>
    %mul3A_17 = arith.mulf %concatenate3A, %mul3A_16 : vector<3x2048xf32>
    %get3A_18 = arith.constant 0 : index
    %get3A_19 = arith.constant 1 : index
    %get3A_20 = arith.constant 0 : index
    %get3A_21 = arith.constant 0 : index
    %get3A_22 = vector.load %arg2[%get3A_18, %get3A_19, %get3A_20, %get3A_21] : memref<1x2x3x1280xf32, #tpu.memory_space<vmem>>, vector<1x1x3x1280xf32>
    %get3A_23 = vector.shape_cast %get3A_22 : vector<1x1x3x1280xf32> to vector<3x1280xf32>
    %get3A_24 = arith.constant 0 : index
    %get3A_25 = arith.constant 1 : index
    %get3A_26 = arith.constant 0 : index
    %get3A_27 = arith.constant 0 : index
    %get3A_28 = vector.load %arg3[%get3A_24, %get3A_25, %get3A_26, %get3A_27] : memref<1x2x3x768xf32, #tpu.memory_space<vmem>>, vector<1x1x3x768xf32>
    %get3A_29 = vector.shape_cast %get3A_28 : vector<1x1x3x768xf32> to vector<3x768xf32>
    %concatenate3A_30 = tpu.concatenate %get3A_23, %get3A_29 in 1 : vector<3x1280xf32>, vector<3x768xf32> -> vector<3x2048xf32>
    %mul3A_31 = arith.constant 1.000000e-01 : f32
    %mul3A_32 = vector.broadcast %mul3A_31 : f32 to vector<3x2048xf32>
    %mul3A_33 = arith.mulf %concatenate3A_30, %mul3A_32 : vector<3x2048xf32>
    %slice3A = vector.extract_strided_slice %get3A_3 {offsets = [0, 0], sizes = [3, 2048], strides = [1, 1]} : vector<6x2048xf32> to vector<3x2048xf32>
    %slice3A_34 = vector.extract_strided_slice %get3A_3 {offsets = [3, 0], sizes = [3, 2048], strides = [1, 1]} : vector<6x2048xf32> to vector<3x2048xf32>
    %get3A_35 = arith.constant 0 : index
    %get3A_36 = arith.constant 0 : index
    %get3A_37 = vector.load %arg4[%get3A_35, %get3A_36] : memref<32x6xf32, #tpu.memory_space<vmem>>, vector<32x6xf32>
    %get3A_38 = arith.constant 0 : index
    %get3A_39 = arith.constant 0 : index
    %get3A_40 = vector.load %arg5[%get3A_38, %get3A_39] : memref<32x1xf32, #tpu.memory_space<vmem>>, vector<32x1xf32>
    %slice3A_41 = vector.extract_strided_slice %get3A_37 {offsets = [0, 0], sizes = [32, 3], strides = [1, 1]} : vector<32x6xf32> to vector<32x3xf32>
    %slice3A_42 = vector.extract_strided_slice %get3A_37 {offsets = [0, 3], sizes = [32, 3], strides = [1, 1]} : vector<32x6xf32> to vector<32x3xf32>
    %dot_general3A = arith.constant dense<0.000000e+00> : vector<32x2048xf32>
    %dot_general3A_43 = tpu.matmul %slice3A_41, %mul3A_17, %dot_general3A {dimension_numbers = #tpu.dot_dimension_numbers<[1], [0], [0], [1], [0, 0, 1, 1], [], []>, transpose_lhs_hint = false} : vector<32x3xf32>, vector<3x2048xf32>, vector<32x2048xf32> -> vector<32x2048xf32>
    %sub3A = arith.subf %slice3A_42, %slice3A_41 : vector<32x3xf32>
    %dot_general3A_44 = arith.constant dense<0.000000e+00> : vector<32x2048xf32>
    %dot_general3A_45 = tpu.matmul %sub3A, %slice3A, %dot_general3A_44 {dimension_numbers = #tpu.dot_dimension_numbers<[1], [0], [0], [1], [0, 0, 1, 1], [], []>, transpose_lhs_hint = false} : vector<32x3xf32>, vector<3x2048xf32>, vector<32x2048xf32> -> vector<32x2048xf32>
    %add3A = arith.addf %dot_general3A_43, %dot_general3A_45 : vector<32x2048xf32>
    %add3A_46 = vector.broadcast %get3A_40 : vector<32x1xf32> to vector<32x2048xf32>
    %add3A_47 = arith.addf %add3A, %add3A_46 : vector<32x2048xf32>
    %get3A_48 = arith.constant 0 : index
    %get3A_49 = arith.constant 0 : index
    %get3A_50 = vector.load %arg6[%get3A_48, %get3A_49] : memref<32x6xf32, #tpu.memory_space<vmem>>, vector<32x6xf32>
    %get3A_51 = arith.constant 0 : index
    %get3A_52 = arith.constant 0 : index
    %get3A_53 = vector.load %arg7[%get3A_51, %get3A_52] : memref<32x1xf32, #tpu.memory_space<vmem>>, vector<32x1xf32>
    %slice3A_54 = vector.extract_strided_slice %get3A_50 {offsets = [0, 0], sizes = [32, 3], strides = [1, 1]} : vector<32x6xf32> to vector<32x3xf32>
    %slice3A_55 = vector.extract_strided_slice %get3A_50 {offsets = [0, 3], sizes = [32, 3], strides = [1, 1]} : vector<32x6xf32> to vector<32x3xf32>
    %dot_general3A_56 = arith.constant dense<0.000000e+00> : vector<32x2048xf32>
    %dot_general3A_57 = tpu.matmul %slice3A_54, %mul3A_33, %dot_general3A_56 {dimension_numbers = #tpu.dot_dimension_numbers<[1], [0], [0], [1], [0, 0, 1, 1], [], []>, transpose_lhs_hint = false} : vector<32x3xf32>, vector<3x2048xf32>, vector<32x2048xf32> -> vector<32x2048xf32>
    %sub3A_58 = arith.subf %slice3A_55, %slice3A_54 : vector<32x3xf32>
    %dot_general3A_59 = arith.constant dense<0.000000e+00> : vector<32x2048xf32>
    %dot_general3A_60 = tpu.matmul %sub3A_58, %slice3A_34, %dot_general3A_59 {dimension_numbers = #tpu.dot_dimension_numbers<[1], [0], [0], [1], [0, 0, 1, 1], [], []>, transpose_lhs_hint = false} : vector<32x3xf32>, vector<3x2048xf32>, vector<32x2048xf32> -> vector<32x2048xf32>
    %add3A_61 = arith.addf %dot_general3A_57, %dot_general3A_60 : vector<32x2048xf32>
    %add3A_62 = vector.broadcast %get3A_53 : vector<32x1xf32> to vector<32x2048xf32>
    %add3A_63 = arith.addf %add3A_61, %add3A_62 : vector<32x2048xf32>
    %get3A_64 = arith.constant 0 : index
    %get3A_65 = arith.constant 0 : index
    %get3A_66 = vector.load %arg8[%get3A_64, %get3A_65] : memref<64x32xf32, #tpu.memory_space<vmem>>, vector<64x32xf32>
    %get3A_67 = arith.constant 0 : index
    %get3A_68 = arith.constant 0 : index
    %get3A_69 = vector.load %arg9[%get3A_67, %get3A_68] : memref<64x1xf32, #tpu.memory_space<vmem>>, vector<64x1xf32>
    %get3A_70 = arith.constant 0 : index
    %get3A_71 = arith.constant 0 : index
    %get3A_72 = vector.load %arg10[%get3A_70, %get3A_71] : memref<64x1xf32, #tpu.memory_space<vmem>>, vector<64x1xf32>
    %get3A_73 = arith.constant 0 : index
    %get3A_74 = arith.constant 0 : index
    %get3A_75 = vector.load %arg11[%get3A_73, %get3A_74] : memref<64x1xf32, #tpu.memory_space<vmem>>, vector<64x1xf32>
    %get3A_76 = arith.constant 0 : index
    %get3A_77 = arith.constant 0 : index
    %get3A_78 = vector.load %arg12[%get3A_76, %get3A_77] : memref<128x64xf32, #tpu.memory_space<vmem>>, vector<128x64xf32>
    %get3A_79 = arith.constant 0 : index
    %get3A_80 = arith.constant 0 : index
    %get3A_81 = vector.load %arg13[%get3A_79, %get3A_80] : memref<128x1xf32, #tpu.memory_space<vmem>>, vector<128x1xf32>
    %get3A_82 = arith.constant 0 : index
    %get3A_83 = arith.constant 0 : index
    %get3A_84 = vector.load %arg14[%get3A_82, %get3A_83] : memref<128x1xf32, #tpu.memory_space<vmem>>, vector<128x1xf32>
    %get3A_85 = arith.constant 0 : index
    %get3A_86 = arith.constant 0 : index
    %get3A_87 = vector.load %arg15[%get3A_85, %get3A_86] : memref<128x1xf32, #tpu.memory_space<vmem>>, vector<128x1xf32>
    %get3A_88 = arith.constant 0 : index
    %get3A_89 = arith.constant 0 : index
    %get3A_90 = vector.load %arg16[%get3A_88, %get3A_89] : memref<256x128xf32, #tpu.memory_space<vmem>>, vector<256x128xf32>
    %get3A_91 = arith.constant 0 : index
    %get3A_92 = arith.constant 0 : index
    %get3A_93 = vector.load %arg17[%get3A_91, %get3A_92] : memref<256x1xf32, #tpu.memory_space<vmem>>, vector<256x1xf32>
    %convert_element_type3A = arith.truncf %get3A_66 : vector<64x32xf32> to vector<64x32xbf16>
    %convert_element_type3A_94 = arith.truncf %add3A_47 : vector<32x2048xf32> to vector<32x2048xbf16>
    %dot_general3A_95 = arith.constant dense<0.000000e+00> : vector<64x2048xf32>
    %dot_general3A_96 = tpu.matmul %convert_element_type3A, %convert_element_type3A_94, %dot_general3A_95 {dimension_numbers = #tpu.dot_dimension_numbers<[1], [0], [0], [1], [0, 0, 1, 1], [], []>, transpose_lhs_hint = false} : vector<64x32xbf16>, vector<32x2048xbf16>, vector<64x2048xf32> -> vector<64x2048xf32>
    %add3A_97 = vector.broadcast %get3A_69 : vector<64x1xf32> to vector<64x2048xf32>
    %add3A_98 = arith.addf %dot_general3A_96, %add3A_97 : vector<64x2048xf32>
    %slice3A_99 = vector.extract_strided_slice %add3A_98 {offsets = [0, 0], sizes = [16, 2048], strides = [1, 1]} : vector<64x2048xf32> to vector<16x2048xf32>
    %reduce_sum3A = vector.shape_cast %slice3A_99 : vector<16x2048xf32> to vector<1x16x2048xf32>
    %reduce_sum3A_100 = arith.constant dense<0.000000e+00> : vector<1xf32>
    %reduce_sum3A_101 = vector.multi_reduction <add>, %reduce_sum3A, %reduce_sum3A_100 [1, 2] : vector<1x16x2048xf32> to vector<1xf32>
    %reduce_sum3A_102 = vector.shape_cast %reduce_sum3A_101 : vector<1xf32> to vector<1x1x1xf32>
    %reduce_sum3A_103 = vector.extract %reduce_sum3A_102[0, 0, 0] : f32 from vector<1x1x1xf32>
    %div3A = arith.constant 3.276800e+04 : f32
    %div3A_104 = arith.divf %reduce_sum3A_103, %div3A : f32
    %sub3A_105 = vector.broadcast %div3A_104 : f32 to vector<16x2048xf32>
    %sub3A_106 = arith.subf %slice3A_99, %sub3A_105 : vector<16x2048xf32>
    %mul3A_107 = arith.mulf %sub3A_106, %sub3A_106 : vector<16x2048xf32>
    %reduce_sum3A_108 = vector.shape_cast %mul3A_107 : vector<16x2048xf32> to vector<1x16x2048xf32>
    %reduce_sum3A_109 = arith.constant dense<0.000000e+00> : vector<1xf32>
    %reduce_sum3A_110 = vector.multi_reduction <add>, %reduce_sum3A_108, %reduce_sum3A_109 [1, 2] : vector<1x16x2048xf32> to vector<1xf32>
    %reduce_sum3A_111 = vector.shape_cast %reduce_sum3A_110 : vector<1xf32> to vector<1x1x1xf32>
    %reduce_sum3A_112 = vector.extract %reduce_sum3A_111[0, 0, 0] : f32 from vector<1x1x1xf32>
    %div3A_113 = arith.constant 3.276800e+04 : f32
    %div3A_114 = arith.divf %reduce_sum3A_112, %div3A_113 : f32
    %add3A_115 = arith.constant 9.99999974E-6 : f32
    %add3A_116 = arith.addf %div3A_114, %add3A_115 : f32
    %rsqrt3A = math.rsqrt %add3A_116 : f32
    %mul3A_117 = vector.broadcast %rsqrt3A : f32 to vector<16x2048xf32>
    %mul3A_118 = arith.mulf %sub3A_106, %mul3A_117 : vector<16x2048xf32>
    %slice3A_119 = vector.extract_strided_slice %add3A_98 {offsets = [16, 0], sizes = [16, 2048], strides = [1, 1]} : vector<64x2048xf32> to vector<16x2048xf32>
    %reduce_sum3A_120 = vector.shape_cast %slice3A_119 : vector<16x2048xf32> to vector<1x16x2048xf32>
    %reduce_sum3A_121 = arith.constant dense<0.000000e+00> : vector<1xf32>
    %reduce_sum3A_122 = vector.multi_reduction <add>, %reduce_sum3A_120, %reduce_sum3A_121 [1, 2] : vector<1x16x2048xf32> to vector<1xf32>
    %reduce_sum3A_123 = vector.shape_cast %reduce_sum3A_122 : vector<1xf32> to vector<1x1x1xf32>
    %reduce_sum3A_124 = vector.extract %reduce_sum3A_123[0, 0, 0] : f32 from vector<1x1x1xf32>
    %div3A_125 = arith.constant 3.276800e+04 : f32
    %div3A_126 = arith.divf %reduce_sum3A_124, %div3A_125 : f32
    %sub3A_127 = vector.broadcast %div3A_126 : f32 to vector<16x2048xf32>
    %sub3A_128 = arith.subf %slice3A_119, %sub3A_127 : vector<16x2048xf32>
    %mul3A_129 = arith.mulf %sub3A_128, %sub3A_128 : vector<16x2048xf32>
    %reduce_sum3A_130 = vector.shape_cast %mul3A_129 : vector<16x2048xf32> to vector<1x16x2048xf32>
    %reduce_sum3A_131 = arith.constant dense<0.000000e+00> : vector<1xf32>
    %reduce_sum3A_132 = vector.multi_reduction <add>, %reduce_sum3A_130, %reduce_sum3A_131 [1, 2] : vector<1x16x2048xf32> to vector<1xf32>
    %reduce_sum3A_133 = vector.shape_cast %reduce_sum3A_132 : vector<1xf32> to vector<1x1x1xf32>
    %reduce_sum3A_134 = vector.extract %reduce_sum3A_133[0, 0, 0] : f32 from vector<1x1x1xf32>
    %div3A_135 = arith.constant 3.276800e+04 : f32
    %div3A_136 = arith.divf %reduce_sum3A_134, %div3A_135 : f32
    %add3A_137 = arith.constant 9.99999974E-6 : f32
    %add3A_138 = arith.addf %div3A_136, %add3A_137 : f32
    %rsqrt3A_139 = math.rsqrt %add3A_138 : f32
    %mul3A_140 = vector.broadcast %rsqrt3A_139 : f32 to vector<16x2048xf32>
    %mul3A_141 = arith.mulf %sub3A_128, %mul3A_140 : vector<16x2048xf32>
    %slice3A_142 = vector.extract_strided_slice %add3A_98 {offsets = [32, 0], sizes = [16, 2048], strides = [1, 1]} : vector<64x2048xf32> to vector<16x2048xf32>
    %reduce_sum3A_143 = vector.shape_cast %slice3A_142 : vector<16x2048xf32> to vector<1x16x2048xf32>
    %reduce_sum3A_144 = arith.constant dense<0.000000e+00> : vector<1xf32>
    %reduce_sum3A_145 = vector.multi_reduction <add>, %reduce_sum3A_143, %reduce_sum3A_144 [1, 2] : vector<1x16x2048xf32> to vector<1xf32>
    %reduce_sum3A_146 = vector.shape_cast %reduce_sum3A_145 : vector<1xf32> to vector<1x1x1xf32>
    %reduce_sum3A_147 = vector.extract %reduce_sum3A_146[0, 0, 0] : f32 from vector<1x1x1xf32>
    %div3A_148 = arith.constant 3.276800e+04 : f32
    %div3A_149 = arith.divf %reduce_sum3A_147, %div3A_148 : f32
    %sub3A_150 = vector.broadcast %div3A_149 : f32 to vector<16x2048xf32>
    %sub3A_151 = arith.subf %slice3A_142, %sub3A_150 : vector<16x2048xf32>
    %mul3A_152 = arith.mulf %sub3A_151, %sub3A_151 : vector<16x2048xf32>
    %reduce_sum3A_153 = vector.shape_cast %mul3A_152 : vector<16x2048xf32> to vector<1x16x2048xf32>
    %reduce_sum3A_154 = arith.constant dense<0.000000e+00> : vector<1xf32>
    %reduce_sum3A_155 = vector.multi_reduction <add>, %reduce_sum3A_153, %reduce_sum3A_154 [1, 2] : vector<1x16x2048xf32> to vector<1xf32>
    %reduce_sum3A_156 = vector.shape_cast %reduce_sum3A_155 : vector<1xf32> to vector<1x1x1xf32>
    %reduce_sum3A_157 = vector.extract %reduce_sum3A_156[0, 0, 0] : f32 from vector<1x1x1xf32>
    %div3A_158 = arith.constant 3.276800e+04 : f32
    %div3A_159 = arith.divf %reduce_sum3A_157, %div3A_158 : f32
    %add3A_160 = arith.constant 9.99999974E-6 : f32
    %add3A_161 = arith.addf %div3A_159, %add3A_160 : f32
    %rsqrt3A_162 = math.rsqrt %add3A_161 : f32
    %mul3A_163 = vector.broadcast %rsqrt3A_162 : f32 to vector<16x2048xf32>
    %mul3A_164 = arith.mulf %sub3A_151, %mul3A_163 : vector<16x2048xf32>
    %slice3A_165 = vector.extract_strided_slice %add3A_98 {offsets = [48, 0], sizes = [16, 2048], strides = [1, 1]} : vector<64x2048xf32> to vector<16x2048xf32>
    %reduce_sum3A_166 = vector.shape_cast %slice3A_165 : vector<16x2048xf32> to vector<1x16x2048xf32>
    %reduce_sum3A_167 = arith.constant dense<0.000000e+00> : vector<1xf32>
    %reduce_sum3A_168 = vector.multi_reduction <add>, %reduce_sum3A_166, %reduce_sum3A_167 [1, 2] : vector<1x16x2048xf32> to vector<1xf32>
    %reduce_sum3A_169 = vector.shape_cast %reduce_sum3A_168 : vector<1xf32> to vector<1x1x1xf32>
    %reduce_sum3A_170 = vector.extract %reduce_sum3A_169[0, 0, 0] : f32 from vector<1x1x1xf32>
    %div3A_171 = arith.constant 3.276800e+04 : f32
    %div3A_172 = arith.divf %reduce_sum3A_170, %div3A_171 : f32
    %sub3A_173 = vector.broadcast %div3A_172 : f32 to vector<16x2048xf32>
    %sub3A_174 = arith.subf %slice3A_165, %sub3A_173 : vector<16x2048xf32>
    %mul3A_175 = arith.mulf %sub3A_174, %sub3A_174 : vector<16x2048xf32>
    %reduce_sum3A_176 = vector.shape_cast %mul3A_175 : vector<16x2048xf32> to vector<1x16x2048xf32>
    %reduce_sum3A_177 = arith.constant dense<0.000000e+00> : vector<1xf32>
    %reduce_sum3A_178 = vector.multi_reduction <add>, %reduce_sum3A_176, %reduce_sum3A_177 [1, 2] : vector<1x16x2048xf32> to vector<1xf32>
    %reduce_sum3A_179 = vector.shape_cast %reduce_sum3A_178 : vector<1xf32> to vector<1x1x1xf32>
    %reduce_sum3A_180 = vector.extract %reduce_sum3A_179[0, 0, 0] : f32 from vector<1x1x1xf32>
    %div3A_181 = arith.constant 3.276800e+04 : f32
    %div3A_182 = arith.divf %reduce_sum3A_180, %div3A_181 : f32
    %add3A_183 = arith.constant 9.99999974E-6 : f32
    %add3A_184 = arith.addf %div3A_182, %add3A_183 : f32
    %rsqrt3A_185 = math.rsqrt %add3A_184 : f32
    %mul3A_186 = vector.broadcast %rsqrt3A_185 : f32 to vector<16x2048xf32>
    %mul3A_187 = arith.mulf %sub3A_174, %mul3A_186 : vector<16x2048xf32>
    %concatenate3A_188 = tpu.concatenate %mul3A_118, %mul3A_141, %mul3A_164, %mul3A_187 in 0 : vector<16x2048xf32>, vector<16x2048xf32>, vector<16x2048xf32>, vector<16x2048xf32> -> vector<64x2048xf32>
    %mul3A_189 = vector.broadcast %get3A_72 : vector<64x1xf32> to vector<64x2048xf32>
    %mul3A_190 = arith.mulf %concatenate3A_188, %mul3A_189 : vector<64x2048xf32>
    %add3A_191 = vector.broadcast %get3A_75 : vector<64x1xf32> to vector<64x2048xf32>
    %add3A_192 = arith.addf %mul3A_190, %add3A_191 : vector<64x2048xf32>
    %mul3A_193 = arith.constant 5.000000e-01 : f32
    %mul3A_194 = vector.broadcast %mul3A_193 : f32 to vector<64x2048xf32>
    %mul3A_195 = arith.mulf %mul3A_194, %add3A_192 : vector<64x2048xf32>
    %integer_pow3A = arith.mulf %add3A_192, %add3A_192 : vector<64x2048xf32>
    %integer_pow3A_196 = arith.mulf %add3A_192, %integer_pow3A : vector<64x2048xf32>
    %mul3A_197 = arith.constant 4.471500e-02 : f32
    %mul3A_198 = vector.broadcast %mul3A_197 : f32 to vector<64x2048xf32>
    %mul3A_199 = arith.mulf %mul3A_198, %integer_pow3A_196 : vector<64x2048xf32>
    %add3A_200 = arith.addf %add3A_192, %mul3A_199 : vector<64x2048xf32>
    %mul3A_201 = arith.constant 0.797884583 : f32
    %mul3A_202 = vector.broadcast %mul3A_201 : f32 to vector<64x2048xf32>
    %mul3A_203 = arith.mulf %mul3A_202, %add3A_200 : vector<64x2048xf32>
    %tanh3A = math.tanh %mul3A_203 : vector<64x2048xf32>
    %add3A_204 = arith.constant 1.000000e+00 : f32
    %add3A_205 = vector.broadcast %add3A_204 : f32 to vector<64x2048xf32>
    %add3A_206 = arith.addf %add3A_205, %tanh3A : vector<64x2048xf32>
    %mul3A_207 = arith.mulf %mul3A_195, %add3A_206 : vector<64x2048xf32>
    %convert_element_type3A_208 = arith.truncf %get3A_78 : vector<128x64xf32> to vector<128x64xbf16>
    %convert_element_type3A_209 = arith.truncf %mul3A_207 : vector<64x2048xf32> to vector<64x2048xbf16>
    %dot_general3A_210 = arith.constant dense<0.000000e+00> : vector<128x2048xf32>
    %dot_general3A_211 = tpu.matmul %convert_element_type3A_208, %convert_element_type3A_209, %dot_general3A_210 {dimension_numbers = #tpu.dot_dimension_numbers<[1], [0], [0], [1], [0, 0, 1, 1], [], []>, transpose_lhs_hint = false} : vector<128x64xbf16>, vector<64x2048xbf16>, vector<128x2048xf32> -> vector<128x2048xf32>
    %add3A_212 = vector.broadcast %get3A_81 : vector<128x1xf32> to vector<128x2048xf32>
    %add3A_213 = arith.addf %dot_general3A_211, %add3A_212 : vector<128x2048xf32>
    %slice3A_214 = vector.extract_strided_slice %add3A_213 {offsets = [0, 0], sizes = [32, 2048], strides = [1, 1]} : vector<128x2048xf32> to vector<32x2048xf32>
    %reduce_sum3A_215 = vector.shape_cast %slice3A_214 : vector<32x2048xf32> to vector<1x32x2048xf32>
    %reduce_sum3A_216 = arith.constant dense<0.000000e+00> : vector<1xf32>
    %reduce_sum3A_217 = vector.multi_reduction <add>, %reduce_sum3A_215, %reduce_sum3A_216 [1, 2] : vector<1x32x2048xf32> to vector<1xf32>
    %reduce_sum3A_218 = vector.shape_cast %reduce_sum3A_217 : vector<1xf32> to vector<1x1x1xf32>
    %reduce_sum3A_219 = vector.extract %reduce_sum3A_218[0, 0, 0] : f32 from vector<1x1x1xf32>
    %div3A_220 = arith.constant 6.553600e+04 : f32
    %div3A_221 = arith.divf %reduce_sum3A_219, %div3A_220 : f32
    %sub3A_222 = vector.broadcast %div3A_221 : f32 to vector<32x2048xf32>
    %sub3A_223 = arith.subf %slice3A_214, %sub3A_222 : vector<32x2048xf32>
    %mul3A_224 = arith.mulf %sub3A_223, %sub3A_223 : vector<32x2048xf32>
    %reduce_sum3A_225 = vector.shape_cast %mul3A_224 : vector<32x2048xf32> to vector<1x32x2048xf32>
    %reduce_sum3A_226 = arith.constant dense<0.000000e+00> : vector<1xf32>
    %reduce_sum3A_227 = vector.multi_reduction <add>, %reduce_sum3A_225, %reduce_sum3A_226 [1, 2] : vector<1x32x2048xf32> to vector<1xf32>
    %reduce_sum3A_228 = vector.shape_cast %reduce_sum3A_227 : vector<1xf32> to vector<1x1x1xf32>
    %reduce_sum3A_229 = vector.extract %reduce_sum3A_228[0, 0, 0] : f32 from vector<1x1x1xf32>
    %div3A_230 = arith.constant 6.553600e+04 : f32
    %div3A_231 = arith.divf %reduce_sum3A_229, %div3A_230 : f32
    %add3A_232 = arith.constant 9.99999974E-6 : f32
    %add3A_233 = arith.addf %div3A_231, %add3A_232 : f32
    %rsqrt3A_234 = math.rsqrt %add3A_233 : f32
    %mul3A_235 = vector.broadcast %rsqrt3A_234 : f32 to vector<32x2048xf32>
    %mul3A_236 = arith.mulf %sub3A_223, %mul3A_235 : vector<32x2048xf32>
    %slice3A_237 = vector.extract_strided_slice %add3A_213 {offsets = [32, 0], sizes = [32, 2048], strides = [1, 1]} : vector<128x2048xf32> to vector<32x2048xf32>
    %reduce_sum3A_238 = vector.shape_cast %slice3A_237 : vector<32x2048xf32> to vector<1x32x2048xf32>
    %reduce_sum3A_239 = arith.constant dense<0.000000e+00> : vector<1xf32>
    %reduce_sum3A_240 = vector.multi_reduction <add>, %reduce_sum3A_238, %reduce_sum3A_239 [1, 2] : vector<1x32x2048xf32> to vector<1xf32>
    %reduce_sum3A_241 = vector.shape_cast %reduce_sum3A_240 : vector<1xf32> to vector<1x1x1xf32>
    %reduce_sum3A_242 = vector.extract %reduce_sum3A_241[0, 0, 0] : f32 from vector<1x1x1xf32>
    %div3A_243 = arith.constant 6.553600e+04 : f32
    %div3A_244 = arith.divf %reduce_sum3A_242, %div3A_243 : f32
    %sub3A_245 = vector.broadcast %div3A_244 : f32 to vector<32x2048xf32>
    %sub3A_246 = arith.subf %slice3A_237, %sub3A_245 : vector<32x2048xf32>
    %mul3A_247 = arith.mulf %sub3A_246, %sub3A_246 : vector<32x2048xf32>
    %reduce_sum3A_248 = vector.shape_cast %mul3A_247 : vector<32x2048xf32> to vector<1x32x2048xf32>
    %reduce_sum3A_249 = arith.constant dense<0.000000e+00> : vector<1xf32>
    %reduce_sum3A_250 = vector.multi_reduction <add>, %reduce_sum3A_248, %reduce_sum3A_249 [1, 2] : vector<1x32x2048xf32> to vector<1xf32>
    %reduce_sum3A_251 = vector.shape_cast %reduce_sum3A_250 : vector<1xf32> to vector<1x1x1xf32>
    %reduce_sum3A_252 = vector.extract %reduce_sum3A_251[0, 0, 0] : f32 from vector<1x1x1xf32>
    %div3A_253 = arith.constant 6.553600e+04 : f32
    %div3A_254 = arith.divf %reduce_sum3A_252, %div3A_253 : f32
    %add3A_255 = arith.constant 9.99999974E-6 : f32
    %add3A_256 = arith.addf %div3A_254, %add3A_255 : f32
    %rsqrt3A_257 = math.rsqrt %add3A_256 : f32
    %mul3A_258 = vector.broadcast %rsqrt3A_257 : f32 to vector<32x2048xf32>
    %mul3A_259 = arith.mulf %sub3A_246, %mul3A_258 : vector<32x2048xf32>
    %slice3A_260 = vector.extract_strided_slice %add3A_213 {offsets = [64, 0], sizes = [32, 2048], strides = [1, 1]} : vector<128x2048xf32> to vector<32x2048xf32>
    %reduce_sum3A_261 = vector.shape_cast %slice3A_260 : vector<32x2048xf32> to vector<1x32x2048xf32>
    %reduce_sum3A_262 = arith.constant dense<0.000000e+00> : vector<1xf32>
    %reduce_sum3A_263 = vector.multi_reduction <add>, %reduce_sum3A_261, %reduce_sum3A_262 [1, 2] : vector<1x32x2048xf32> to vector<1xf32>
    %reduce_sum3A_264 = vector.shape_cast %reduce_sum3A_263 : vector<1xf32> to vector<1x1x1xf32>
    %reduce_sum3A_265 = vector.extract %reduce_sum3A_264[0, 0, 0] : f32 from vector<1x1x1xf32>
    %div3A_266 = arith.constant 6.553600e+04 : f32
    %div3A_267 = arith.divf %reduce_sum3A_265, %div3A_266 : f32
    %sub3A_268 = vector.broadcast %div3A_267 : f32 to vector<32x2048xf32>
    %sub3A_269 = arith.subf %slice3A_260, %sub3A_268 : vector<32x2048xf32>
    %mul3A_270 = arith.mulf %sub3A_269, %sub3A_269 : vector<32x2048xf32>
    %reduce_sum3A_271 = vector.shape_cast %mul3A_270 : vector<32x2048xf32> to vector<1x32x2048xf32>
    %reduce_sum3A_272 = arith.constant dense<0.000000e+00> : vector<1xf32>
    %reduce_sum3A_273 = vector.multi_reduction <add>, %reduce_sum3A_271, %reduce_sum3A_272 [1, 2] : vector<1x32x2048xf32> to vector<1xf32>
    %reduce_sum3A_274 = vector.shape_cast %reduce_sum3A_273 : vector<1xf32> to vector<1x1x1xf32>
    %reduce_sum3A_275 = vector.extract %reduce_sum3A_274[0, 0, 0] : f32 from vector<1x1x1xf32>
    %div3A_276 = arith.constant 6.553600e+04 : f32
    %div3A_277 = arith.divf %reduce_sum3A_275, %div3A_276 : f32
    %add3A_278 = arith.constant 9.99999974E-6 : f32
    %add3A_279 = arith.addf %div3A_277, %add3A_278 : f32
    %rsqrt3A_280 = math.rsqrt %add3A_279 : f32
    %mul3A_281 = vector.broadcast %rsqrt3A_280 : f32 to vector<32x2048xf32>
    %mul3A_282 = arith.mulf %sub3A_269, %mul3A_281 : vector<32x2048xf32>
    %slice3A_283 = vector.extract_strided_slice %add3A_213 {offsets = [96, 0], sizes = [32, 2048], strides = [1, 1]} : vector<128x2048xf32> to vector<32x2048xf32>
    %reduce_sum3A_284 = vector.shape_cast %slice3A_283 : vector<32x2048xf32> to vector<1x32x2048xf32>
    %reduce_sum3A_285 = arith.constant dense<0.000000e+00> : vector<1xf32>
    %reduce_sum3A_286 = vector.multi_reduction <add>, %reduce_sum3A_284, %reduce_sum3A_285 [1, 2] : vector<1x32x2048xf32> to vector<1xf32>
    %reduce_sum3A_287 = vector.shape_cast %reduce_sum3A_286 : vector<1xf32> to vector<1x1x1xf32>
    %reduce_sum3A_288 = vector.extract %reduce_sum3A_287[0, 0, 0] : f32 from vector<1x1x1xf32>
    %div3A_289 = arith.constant 6.553600e+04 : f32
    %div3A_290 = arith.divf %reduce_sum3A_288, %div3A_289 : f32
    %sub3A_291 = vector.broadcast %div3A_290 : f32 to vector<32x2048xf32>
    %sub3A_292 = arith.subf %slice3A_283, %sub3A_291 : vector<32x2048xf32>
    %mul3A_293 = arith.mulf %sub3A_292, %sub3A_292 : vector<32x2048xf32>
    %reduce_sum3A_294 = vector.shape_cast %mul3A_293 : vector<32x2048xf32> to vector<1x32x2048xf32>
    %reduce_sum3A_295 = arith.constant dense<0.000000e+00> : vector<1xf32>
    %reduce_sum3A_296 = vector.multi_reduction <add>, %reduce_sum3A_294, %reduce_sum3A_295 [1, 2] : vector<1x32x2048xf32> to vector<1xf32>
    %reduce_sum3A_297 = vector.shape_cast %reduce_sum3A_296 : vector<1xf32> to vector<1x1x1xf32>
    %reduce_sum3A_298 = vector.extract %reduce_sum3A_297[0, 0, 0] : f32 from vector<1x1x1xf32>
    %div3A_299 = arith.constant 6.553600e+04 : f32
    %div3A_300 = arith.divf %reduce_sum3A_298, %div3A_299 : f32
    %add3A_301 = arith.constant 9.99999974E-6 : f32
    %add3A_302 = arith.addf %div3A_300, %add3A_301 : f32
    %rsqrt3A_303 = math.rsqrt %add3A_302 : f32
    %mul3A_304 = vector.broadcast %rsqrt3A_303 : f32 to vector<32x2048xf32>
    %mul3A_305 = arith.mulf %sub3A_292, %mul3A_304 : vector<32x2048xf32>
    %concatenate3A_306 = tpu.concatenate %mul3A_236, %mul3A_259, %mul3A_282, %mul3A_305 in 0 : vector<32x2048xf32>, vector<32x2048xf32>, vector<32x2048xf32>, vector<32x2048xf32> -> vector<128x2048xf32>
    %mul3A_307 = vector.broadcast %get3A_84 : vector<128x1xf32> to vector<128x2048xf32>
    %mul3A_308 = arith.mulf %concatenate3A_306, %mul3A_307 : vector<128x2048xf32>
    %add3A_309 = vector.broadcast %get3A_87 : vector<128x1xf32> to vector<128x2048xf32>
    %add3A_310 = arith.addf %mul3A_308, %add3A_309 : vector<128x2048xf32>
    %mul3A_311 = arith.constant 5.000000e-01 : f32
    %mul3A_312 = vector.broadcast %mul3A_311 : f32 to vector<128x2048xf32>
    %mul3A_313 = arith.mulf %mul3A_312, %add3A_310 : vector<128x2048xf32>
    %integer_pow3A_314 = arith.mulf %add3A_310, %add3A_310 : vector<128x2048xf32>
    %integer_pow3A_315 = arith.mulf %add3A_310, %integer_pow3A_314 : vector<128x2048xf32>
    %mul3A_316 = arith.constant 4.471500e-02 : f32
    %mul3A_317 = vector.broadcast %mul3A_316 : f32 to vector<128x2048xf32>
    %mul3A_318 = arith.mulf %mul3A_317, %integer_pow3A_315 : vector<128x2048xf32>
    %add3A_319 = arith.addf %add3A_310, %mul3A_318 : vector<128x2048xf32>
    %mul3A_320 = arith.constant 0.797884583 : f32
    %mul3A_321 = vector.broadcast %mul3A_320 : f32 to vector<128x2048xf32>
    %mul3A_322 = arith.mulf %mul3A_321, %add3A_319 : vector<128x2048xf32>
    %tanh3A_323 = math.tanh %mul3A_322 : vector<128x2048xf32>
    %add3A_324 = arith.constant 1.000000e+00 : f32
    %add3A_325 = vector.broadcast %add3A_324 : f32 to vector<128x2048xf32>
    %add3A_326 = arith.addf %add3A_325, %tanh3A_323 : vector<128x2048xf32>
    %mul3A_327 = arith.mulf %mul3A_313, %add3A_326 : vector<128x2048xf32>
    %convert_element_type3A_328 = arith.truncf %get3A_90 : vector<256x128xf32> to vector<256x128xbf16>
    %convert_element_type3A_329 = arith.truncf %mul3A_327 : vector<128x2048xf32> to vector<128x2048xbf16>
    %dot_general3A_330 = arith.constant dense<0.000000e+00> : vector<256x2048xf32>
    %dot_general3A_331 = tpu.matmul %convert_element_type3A_328, %convert_element_type3A_329, %dot_general3A_330 {dimension_numbers = #tpu.dot_dimension_numbers<[1], [0], [0], [1], [0, 0, 1, 1], [], []>, transpose_lhs_hint = false} : vector<256x128xbf16>, vector<128x2048xbf16>, vector<256x2048xf32> -> vector<256x2048xf32>
    %add3A_332 = vector.broadcast %get3A_93 : vector<256x1xf32> to vector<256x2048xf32>
    %add3A_333 = arith.addf %dot_general3A_331, %add3A_332 : vector<256x2048xf32>
    %get3A_334 = arith.constant 0 : index
    %get3A_335 = arith.constant 0 : index
    %get3A_336 = vector.load %arg18[%get3A_334, %get3A_335] : memref<64x32xf32, #tpu.memory_space<vmem>>, vector<64x32xf32>
    %get3A_337 = arith.constant 0 : index
    %get3A_338 = arith.constant 0 : index
    %get3A_339 = vector.load %arg19[%get3A_337, %get3A_338] : memref<64x1xf32, #tpu.memory_space<vmem>>, vector<64x1xf32>
    %get3A_340 = arith.constant 0 : index
    %get3A_341 = arith.constant 0 : index
    %get3A_342 = vector.load %arg20[%get3A_340, %get3A_341] : memref<64x1xf32, #tpu.memory_space<vmem>>, vector<64x1xf32>
    %get3A_343 = arith.constant 0 : index
    %get3A_344 = arith.constant 0 : index
    %get3A_345 = vector.load %arg21[%get3A_343, %get3A_344] : memref<64x1xf32, #tpu.memory_space<vmem>>, vector<64x1xf32>
    %get3A_346 = arith.constant 0 : index
    %get3A_347 = arith.constant 0 : index
    %get3A_348 = vector.load %arg22[%get3A_346, %get3A_347] : memref<128x64xf32, #tpu.memory_space<vmem>>, vector<128x64xf32>
    %get3A_349 = arith.constant 0 : index
    %get3A_350 = arith.constant 0 : index
    %get3A_351 = vector.load %arg23[%get3A_349, %get3A_350] : memref<128x1xf32, #tpu.memory_space<vmem>>, vector<128x1xf32>
    %get3A_352 = arith.constant 0 : index
    %get3A_353 = arith.constant 0 : index
    %get3A_354 = vector.load %arg24[%get3A_352, %get3A_353] : memref<128x1xf32, #tpu.memory_space<vmem>>, vector<128x1xf32>
    %get3A_355 = arith.constant 0 : index
    %get3A_356 = arith.constant 0 : index
    %get3A_357 = vector.load %arg25[%get3A_355, %get3A_356] : memref<128x1xf32, #tpu.memory_space<vmem>>, vector<128x1xf32>
    %get3A_358 = arith.constant 0 : index
    %get3A_359 = arith.constant 0 : index
    %get3A_360 = vector.load %arg26[%get3A_358, %get3A_359] : memref<256x128xf32, #tpu.memory_space<vmem>>, vector<256x128xf32>
    %get3A_361 = arith.constant 0 : index
    %get3A_362 = arith.constant 0 : index
    %get3A_363 = vector.load %arg27[%get3A_361, %get3A_362] : memref<256x1xf32, #tpu.memory_space<vmem>>, vector<256x1xf32>
    %convert_element_type3A_364 = arith.truncf %get3A_336 : vector<64x32xf32> to vector<64x32xbf16>
    %convert_element_type3A_365 = arith.truncf %add3A_63 : vector<32x2048xf32> to vector<32x2048xbf16>
    %dot_general3A_366 = arith.constant dense<0.000000e+00> : vector<64x2048xf32>
    %dot_general3A_367 = tpu.matmul %convert_element_type3A_364, %convert_element_type3A_365, %dot_general3A_366 {dimension_numbers = #tpu.dot_dimension_numbers<[1], [0], [0], [1], [0, 0, 1, 1], [], []>, transpose_lhs_hint = false} : vector<64x32xbf16>, vector<32x2048xbf16>, vector<64x2048xf32> -> vector<64x2048xf32>
    %add3A_368 = vector.broadcast %get3A_339 : vector<64x1xf32> to vector<64x2048xf32>
    %add3A_369 = arith.addf %dot_general3A_367, %add3A_368 : vector<64x2048xf32>
    %slice3A_370 = vector.extract_strided_slice %add3A_369 {offsets = [0, 0], sizes = [16, 2048], strides = [1, 1]} : vector<64x2048xf32> to vector<16x2048xf32>
    %reduce_sum3A_371 = vector.shape_cast %slice3A_370 : vector<16x2048xf32> to vector<1x16x2048xf32>
    %reduce_sum3A_372 = arith.constant dense<0.000000e+00> : vector<1xf32>
    %reduce_sum3A_373 = vector.multi_reduction <add>, %reduce_sum3A_371, %reduce_sum3A_372 [1, 2] : vector<1x16x2048xf32> to vector<1xf32>
    %reduce_sum3A_374 = vector.shape_cast %reduce_sum3A_373 : vector<1xf32> to vector<1x1x1xf32>
    %reduce_sum3A_375 = vector.extract %reduce_sum3A_374[0, 0, 0] : f32 from vector<1x1x1xf32>
    %div3A_376 = arith.constant 3.276800e+04 : f32
    %div3A_377 = arith.divf %reduce_sum3A_375, %div3A_376 : f32
    %sub3A_378 = vector.broadcast %div3A_377 : f32 to vector<16x2048xf32>
    %sub3A_379 = arith.subf %slice3A_370, %sub3A_378 : vector<16x2048xf32>
    %mul3A_380 = arith.mulf %sub3A_379, %sub3A_379 : vector<16x2048xf32>
    %reduce_sum3A_381 = vector.shape_cast %mul3A_380 : vector<16x2048xf32> to vector<1x16x2048xf32>
    %reduce_sum3A_382 = arith.constant dense<0.000000e+00> : vector<1xf32>
    %reduce_sum3A_383 = vector.multi_reduction <add>, %reduce_sum3A_381, %reduce_sum3A_382 [1, 2] : vector<1x16x2048xf32> to vector<1xf32>
    %reduce_sum3A_384 = vector.shape_cast %reduce_sum3A_383 : vector<1xf32> to vector<1x1x1xf32>
    %reduce_sum3A_385 = vector.extract %reduce_sum3A_384[0, 0, 0] : f32 from vector<1x1x1xf32>
    %div3A_386 = arith.constant 3.276800e+04 : f32
    %div3A_387 = arith.divf %reduce_sum3A_385, %div3A_386 : f32
    %add3A_388 = arith.constant 9.99999974E-6 : f32
    %add3A_389 = arith.addf %div3A_387, %add3A_388 : f32
    %rsqrt3A_390 = math.rsqrt %add3A_389 : f32
    %mul3A_391 = vector.broadcast %rsqrt3A_390 : f32 to vector<16x2048xf32>
    %mul3A_392 = arith.mulf %sub3A_379, %mul3A_391 : vector<16x2048xf32>
    %slice3A_393 = vector.extract_strided_slice %add3A_369 {offsets = [16, 0], sizes = [16, 2048], strides = [1, 1]} : vector<64x2048xf32> to vector<16x2048xf32>
    %reduce_sum3A_394 = vector.shape_cast %slice3A_393 : vector<16x2048xf32> to vector<1x16x2048xf32>
    %reduce_sum3A_395 = arith.constant dense<0.000000e+00> : vector<1xf32>
    %reduce_sum3A_396 = vector.multi_reduction <add>, %reduce_sum3A_394, %reduce_sum3A_395 [1, 2] : vector<1x16x2048xf32> to vector<1xf32>
    %reduce_sum3A_397 = vector.shape_cast %reduce_sum3A_396 : vector<1xf32> to vector<1x1x1xf32>
    %reduce_sum3A_398 = vector.extract %reduce_sum3A_397[0, 0, 0] : f32 from vector<1x1x1xf32>
    %div3A_399 = arith.constant 3.276800e+04 : f32
    %div3A_400 = arith.divf %reduce_sum3A_398, %div3A_399 : f32
    %sub3A_401 = vector.broadcast %div3A_400 : f32 to vector<16x2048xf32>
    %sub3A_402 = arith.subf %slice3A_393, %sub3A_401 : vector<16x2048xf32>
    %mul3A_403 = arith.mulf %sub3A_402, %sub3A_402 : vector<16x2048xf32>
    %reduce_sum3A_404 = vector.shape_cast %mul3A_403 : vector<16x2048xf32> to vector<1x16x2048xf32>
    %reduce_sum3A_405 = arith.constant dense<0.000000e+00> : vector<1xf32>
    %reduce_sum3A_406 = vector.multi_reduction <add>, %reduce_sum3A_404, %reduce_sum3A_405 [1, 2] : vector<1x16x2048xf32> to vector<1xf32>
    %reduce_sum3A_407 = vector.shape_cast %reduce_sum3A_406 : vector<1xf32> to vector<1x1x1xf32>
    %reduce_sum3A_408 = vector.extract %reduce_sum3A_407[0, 0, 0] : f32 from vector<1x1x1xf32>
    %div3A_409 = arith.constant 3.276800e+04 : f32
    %div3A_410 = arith.divf %reduce_sum3A_408, %div3A_409 : f32
    %add3A_411 = arith.constant 9.99999974E-6 : f32
    %add3A_412 = arith.addf %div3A_410, %add3A_411 : f32
    %rsqrt3A_413 = math.rsqrt %add3A_412 : f32
    %mul3A_414 = vector.broadcast %rsqrt3A_413 : f32 to vector<16x2048xf32>
    %mul3A_415 = arith.mulf %sub3A_402, %mul3A_414 : vector<16x2048xf32>
    %slice3A_416 = vector.extract_strided_slice %add3A_369 {offsets = [32, 0], sizes = [16, 2048], strides = [1, 1]} : vector<64x2048xf32> to vector<16x2048xf32>
    %reduce_sum3A_417 = vector.shape_cast %slice3A_416 : vector<16x2048xf32> to vector<1x16x2048xf32>
    %reduce_sum3A_418 = arith.constant dense<0.000000e+00> : vector<1xf32>
    %reduce_sum3A_419 = vector.multi_reduction <add>, %reduce_sum3A_417, %reduce_sum3A_418 [1, 2] : vector<1x16x2048xf32> to vector<1xf32>
    %reduce_sum3A_420 = vector.shape_cast %reduce_sum3A_419 : vector<1xf32> to vector<1x1x1xf32>
    %reduce_sum3A_421 = vector.extract %reduce_sum3A_420[0, 0, 0] : f32 from vector<1x1x1xf32>
    %div3A_422 = arith.constant 3.276800e+04 : f32
    %div3A_423 = arith.divf %reduce_sum3A_421, %div3A_422 : f32
    %sub3A_424 = vector.broadcast %div3A_423 : f32 to vector<16x2048xf32>
    %sub3A_425 = arith.subf %slice3A_416, %sub3A_424 : vector<16x2048xf32>
    %mul3A_426 = arith.mulf %sub3A_425, %sub3A_425 : vector<16x2048xf32>
    %reduce_sum3A_427 = vector.shape_cast %mul3A_426 : vector<16x2048xf32> to vector<1x16x2048xf32>
    %reduce_sum3A_428 = arith.constant dense<0.000000e+00> : vector<1xf32>
    %reduce_sum3A_429 = vector.multi_reduction <add>, %reduce_sum3A_427, %reduce_sum3A_428 [1, 2] : vector<1x16x2048xf32> to vector<1xf32>
    %reduce_sum3A_430 = vector.shape_cast %reduce_sum3A_429 : vector<1xf32> to vector<1x1x1xf32>
    %reduce_sum3A_431 = vector.extract %reduce_sum3A_430[0, 0, 0] : f32 from vector<1x1x1xf32>
    %div3A_432 = arith.constant 3.276800e+04 : f32
    %div3A_433 = arith.divf %reduce_sum3A_431, %div3A_432 : f32
    %add3A_434 = arith.constant 9.99999974E-6 : f32
    %add3A_435 = arith.addf %div3A_433, %add3A_434 : f32
    %rsqrt3A_436 = math.rsqrt %add3A_435 : f32
    %mul3A_437 = vector.broadcast %rsqrt3A_436 : f32 to vector<16x2048xf32>
    %mul3A_438 = arith.mulf %sub3A_425, %mul3A_437 : vector<16x2048xf32>
    %slice3A_439 = vector.extract_strided_slice %add3A_369 {offsets = [48, 0], sizes = [16, 2048], strides = [1, 1]} : vector<64x2048xf32> to vector<16x2048xf32>
    %reduce_sum3A_440 = vector.shape_cast %slice3A_439 : vector<16x2048xf32> to vector<1x16x2048xf32>
    %reduce_sum3A_441 = arith.constant dense<0.000000e+00> : vector<1xf32>
    %reduce_sum3A_442 = vector.multi_reduction <add>, %reduce_sum3A_440, %reduce_sum3A_441 [1, 2] : vector<1x16x2048xf32> to vector<1xf32>
    %reduce_sum3A_443 = vector.shape_cast %reduce_sum3A_442 : vector<1xf32> to vector<1x1x1xf32>
    %reduce_sum3A_444 = vector.extract %reduce_sum3A_443[0, 0, 0] : f32 from vector<1x1x1xf32>
    %div3A_445 = arith.constant 3.276800e+04 : f32
    %div3A_446 = arith.divf %reduce_sum3A_444, %div3A_445 : f32
    %sub3A_447 = vector.broadcast %div3A_446 : f32 to vector<16x2048xf32>
    %sub3A_448 = arith.subf %slice3A_439, %sub3A_447 : vector<16x2048xf32>
    %mul3A_449 = arith.mulf %sub3A_448, %sub3A_448 : vector<16x2048xf32>
    %reduce_sum3A_450 = vector.shape_cast %mul3A_449 : vector<16x2048xf32> to vector<1x16x2048xf32>
    %reduce_sum3A_451 = arith.constant dense<0.000000e+00> : vector<1xf32>
    %reduce_sum3A_452 = vector.multi_reduction <add>, %reduce_sum3A_450, %reduce_sum3A_451 [1, 2] : vector<1x16x2048xf32> to vector<1xf32>
    %reduce_sum3A_453 = vector.shape_cast %reduce_sum3A_452 : vector<1xf32> to vector<1x1x1xf32>
    %reduce_sum3A_454 = vector.extract %reduce_sum3A_453[0, 0, 0] : f32 from vector<1x1x1xf32>
    %div3A_455 = arith.constant 3.276800e+04 : f32
    %div3A_456 = arith.divf %reduce_sum3A_454, %div3A_455 : f32
    %add3A_457 = arith.constant 9.99999974E-6 : f32
    %add3A_458 = arith.addf %div3A_456, %add3A_457 : f32
    %rsqrt3A_459 = math.rsqrt %add3A_458 : f32
    %mul3A_460 = vector.broadcast %rsqrt3A_459 : f32 to vector<16x2048xf32>
    %mul3A_461 = arith.mulf %sub3A_448, %mul3A_460 : vector<16x2048xf32>
    %concatenate3A_462 = tpu.concatenate %mul3A_392, %mul3A_415, %mul3A_438, %mul3A_461 in 0 : vector<16x2048xf32>, vector<16x2048xf32>, vector<16x2048xf32>, vector<16x2048xf32> -> vector<64x2048xf32>
    %mul3A_463 = vector.broadcast %get3A_342 : vector<64x1xf32> to vector<64x2048xf32>
    %mul3A_464 = arith.mulf %concatenate3A_462, %mul3A_463 : vector<64x2048xf32>
    %add3A_465 = vector.broadcast %get3A_345 : vector<64x1xf32> to vector<64x2048xf32>
    %add3A_466 = arith.addf %mul3A_464, %add3A_465 : vector<64x2048xf32>
    %mul3A_467 = arith.constant 5.000000e-01 : f32
    %mul3A_468 = vector.broadcast %mul3A_467 : f32 to vector<64x2048xf32>
    %mul3A_469 = arith.mulf %mul3A_468, %add3A_466 : vector<64x2048xf32>
    %integer_pow3A_470 = arith.mulf %add3A_466, %add3A_466 : vector<64x2048xf32>
    %integer_pow3A_471 = arith.mulf %add3A_466, %integer_pow3A_470 : vector<64x2048xf32>
    %mul3A_472 = arith.constant 4.471500e-02 : f32
    %mul3A_473 = vector.broadcast %mul3A_472 : f32 to vector<64x2048xf32>
    %mul3A_474 = arith.mulf %mul3A_473, %integer_pow3A_471 : vector<64x2048xf32>
    %add3A_475 = arith.addf %add3A_466, %mul3A_474 : vector<64x2048xf32>
    %mul3A_476 = arith.constant 0.797884583 : f32
    %mul3A_477 = vector.broadcast %mul3A_476 : f32 to vector<64x2048xf32>
    %mul3A_478 = arith.mulf %mul3A_477, %add3A_475 : vector<64x2048xf32>
    %tanh3A_479 = math.tanh %mul3A_478 : vector<64x2048xf32>
    %add3A_480 = arith.constant 1.000000e+00 : f32
    %add3A_481 = vector.broadcast %add3A_480 : f32 to vector<64x2048xf32>
    %add3A_482 = arith.addf %add3A_481, %tanh3A_479 : vector<64x2048xf32>
    %mul3A_483 = arith.mulf %mul3A_469, %add3A_482 : vector<64x2048xf32>
    %convert_element_type3A_484 = arith.truncf %get3A_348 : vector<128x64xf32> to vector<128x64xbf16>
    %convert_element_type3A_485 = arith.truncf %mul3A_483 : vector<64x2048xf32> to vector<64x2048xbf16>
    %dot_general3A_486 = arith.constant dense<0.000000e+00> : vector<128x2048xf32>
    %dot_general3A_487 = tpu.matmul %convert_element_type3A_484, %convert_element_type3A_485, %dot_general3A_486 {dimension_numbers = #tpu.dot_dimension_numbers<[1], [0], [0], [1], [0, 0, 1, 1], [], []>, transpose_lhs_hint = false} : vector<128x64xbf16>, vector<64x2048xbf16>, vector<128x2048xf32> -> vector<128x2048xf32>
    %add3A_488 = vector.broadcast %get3A_351 : vector<128x1xf32> to vector<128x2048xf32>
    %add3A_489 = arith.addf %dot_general3A_487, %add3A_488 : vector<128x2048xf32>
    %slice3A_490 = vector.extract_strided_slice %add3A_489 {offsets = [0, 0], sizes = [32, 2048], strides = [1, 1]} : vector<128x2048xf32> to vector<32x2048xf32>
    %reduce_sum3A_491 = vector.shape_cast %slice3A_490 : vector<32x2048xf32> to vector<1x32x2048xf32>
    %reduce_sum3A_492 = arith.constant dense<0.000000e+00> : vector<1xf32>
    %reduce_sum3A_493 = vector.multi_reduction <add>, %reduce_sum3A_491, %reduce_sum3A_492 [1, 2] : vector<1x32x2048xf32> to vector<1xf32>
    %reduce_sum3A_494 = vector.shape_cast %reduce_sum3A_493 : vector<1xf32> to vector<1x1x1xf32>
    %reduce_sum3A_495 = vector.extract %reduce_sum3A_494[0, 0, 0] : f32 from vector<1x1x1xf32>
    %div3A_496 = arith.constant 6.553600e+04 : f32
    %div3A_497 = arith.divf %reduce_sum3A_495, %div3A_496 : f32
    %sub3A_498 = vector.broadcast %div3A_497 : f32 to vector<32x2048xf32>
    %sub3A_499 = arith.subf %slice3A_490, %sub3A_498 : vector<32x2048xf32>
    %mul3A_500 = arith.mulf %sub3A_499, %sub3A_499 : vector<32x2048xf32>
    %reduce_sum3A_501 = vector.shape_cast %mul3A_500 : vector<32x2048xf32> to vector<1x32x2048xf32>
    %reduce_sum3A_502 = arith.constant dense<0.000000e+00> : vector<1xf32>
    %reduce_sum3A_503 = vector.multi_reduction <add>, %reduce_sum3A_501, %reduce_sum3A_502 [1, 2] : vector<1x32x2048xf32> to vector<1xf32>
    %reduce_sum3A_504 = vector.shape_cast %reduce_sum3A_503 : vector<1xf32> to vector<1x1x1xf32>
    %reduce_sum3A_505 = vector.extract %reduce_sum3A_504[0, 0, 0] : f32 from vector<1x1x1xf32>
    %div3A_506 = arith.constant 6.553600e+04 : f32
    %div3A_507 = arith.divf %reduce_sum3A_505, %div3A_506 : f32
    %add3A_508 = arith.constant 9.99999974E-6 : f32
    %add3A_509 = arith.addf %div3A_507, %add3A_508 : f32
    %rsqrt3A_510 = math.rsqrt %add3A_509 : f32
    %mul3A_511 = vector.broadcast %rsqrt3A_510 : f32 to vector<32x2048xf32>
    %mul3A_512 = arith.mulf %sub3A_499, %mul3A_511 : vector<32x2048xf32>
    %slice3A_513 = vector.extract_strided_slice %add3A_489 {offsets = [32, 0], sizes = [32, 2048], strides = [1, 1]} : vector<128x2048xf32> to vector<32x2048xf32>
    %reduce_sum3A_514 = vector.shape_cast %slice3A_513 : vector<32x2048xf32> to vector<1x32x2048xf32>
    %reduce_sum3A_515 = arith.constant dense<0.000000e+00> : vector<1xf32>
    %reduce_sum3A_516 = vector.multi_reduction <add>, %reduce_sum3A_514, %reduce_sum3A_515 [1, 2] : vector<1x32x2048xf32> to vector<1xf32>
    %reduce_sum3A_517 = vector.shape_cast %reduce_sum3A_516 : vector<1xf32> to vector<1x1x1xf32>
    %reduce_sum3A_518 = vector.extract %reduce_sum3A_517[0, 0, 0] : f32 from vector<1x1x1xf32>
    %div3A_519 = arith.constant 6.553600e+04 : f32
    %div3A_520 = arith.divf %reduce_sum3A_518, %div3A_519 : f32
    %sub3A_521 = vector.broadcast %div3A_520 : f32 to vector<32x2048xf32>
    %sub3A_522 = arith.subf %slice3A_513, %sub3A_521 : vector<32x2048xf32>
    %mul3A_523 = arith.mulf %sub3A_522, %sub3A_522 : vector<32x2048xf32>
    %reduce_sum3A_524 = vector.shape_cast %mul3A_523 : vector<32x2048xf32> to vector<1x32x2048xf32>
    %reduce_sum3A_525 = arith.constant dense<0.000000e+00> : vector<1xf32>
    %reduce_sum3A_526 = vector.multi_reduction <add>, %reduce_sum3A_524, %reduce_sum3A_525 [1, 2] : vector<1x32x2048xf32> to vector<1xf32>
    %reduce_sum3A_527 = vector.shape_cast %reduce_sum3A_526 : vector<1xf32> to vector<1x1x1xf32>
    %reduce_sum3A_528 = vector.extract %reduce_sum3A_527[0, 0, 0] : f32 from vector<1x1x1xf32>
    %div3A_529 = arith.constant 6.553600e+04 : f32
    %div3A_530 = arith.divf %reduce_sum3A_528, %div3A_529 : f32
    %add3A_531 = arith.constant 9.99999974E-6 : f32
    %add3A_532 = arith.addf %div3A_530, %add3A_531 : f32
    %rsqrt3A_533 = math.rsqrt %add3A_532 : f32
    %mul3A_534 = vector.broadcast %rsqrt3A_533 : f32 to vector<32x2048xf32>
    %mul3A_535 = arith.mulf %sub3A_522, %mul3A_534 : vector<32x2048xf32>
    %slice3A_536 = vector.extract_strided_slice %add3A_489 {offsets = [64, 0], sizes = [32, 2048], strides = [1, 1]} : vector<128x2048xf32> to vector<32x2048xf32>
    %reduce_sum3A_537 = vector.shape_cast %slice3A_536 : vector<32x2048xf32> to vector<1x32x2048xf32>
    %reduce_sum3A_538 = arith.constant dense<0.000000e+00> : vector<1xf32>
    %reduce_sum3A_539 = vector.multi_reduction <add>, %reduce_sum3A_537, %reduce_sum3A_538 [1, 2] : vector<1x32x2048xf32> to vector<1xf32>
    %reduce_sum3A_540 = vector.shape_cast %reduce_sum3A_539 : vector<1xf32> to vector<1x1x1xf32>
    %reduce_sum3A_541 = vector.extract %reduce_sum3A_540[0, 0, 0] : f32 from vector<1x1x1xf32>
    %div3A_542 = arith.constant 6.553600e+04 : f32
    %div3A_543 = arith.divf %reduce_sum3A_541, %div3A_542 : f32
    %sub3A_544 = vector.broadcast %div3A_543 : f32 to vector<32x2048xf32>
    %sub3A_545 = arith.subf %slice3A_536, %sub3A_544 : vector<32x2048xf32>
    %mul3A_546 = arith.mulf %sub3A_545, %sub3A_545 : vector<32x2048xf32>
    %reduce_sum3A_547 = vector.shape_cast %mul3A_546 : vector<32x2048xf32> to vector<1x32x2048xf32>
    %reduce_sum3A_548 = arith.constant dense<0.000000e+00> : vector<1xf32>
    %reduce_sum3A_549 = vector.multi_reduction <add>, %reduce_sum3A_547, %reduce_sum3A_548 [1, 2] : vector<1x32x2048xf32> to vector<1xf32>
    %reduce_sum3A_550 = vector.shape_cast %reduce_sum3A_549 : vector<1xf32> to vector<1x1x1xf32>
    %reduce_sum3A_551 = vector.extract %reduce_sum3A_550[0, 0, 0] : f32 from vector<1x1x1xf32>
    %div3A_552 = arith.constant 6.553600e+04 : f32
    %div3A_553 = arith.divf %reduce_sum3A_551, %div3A_552 : f32
    %add3A_554 = arith.constant 9.99999974E-6 : f32
    %add3A_555 = arith.addf %div3A_553, %add3A_554 : f32
    %rsqrt3A_556 = math.rsqrt %add3A_555 : f32
    %mul3A_557 = vector.broadcast %rsqrt3A_556 : f32 to vector<32x2048xf32>
    %mul3A_558 = arith.mulf %sub3A_545, %mul3A_557 : vector<32x2048xf32>
    %slice3A_559 = vector.extract_strided_slice %add3A_489 {offsets = [96, 0], sizes = [32, 2048], strides = [1, 1]} : vector<128x2048xf32> to vector<32x2048xf32>
    %reduce_sum3A_560 = vector.shape_cast %slice3A_559 : vector<32x2048xf32> to vector<1x32x2048xf32>
    %reduce_sum3A_561 = arith.constant dense<0.000000e+00> : vector<1xf32>
    %reduce_sum3A_562 = vector.multi_reduction <add>, %reduce_sum3A_560, %reduce_sum3A_561 [1, 2] : vector<1x32x2048xf32> to vector<1xf32>
    %reduce_sum3A_563 = vector.shape_cast %reduce_sum3A_562 : vector<1xf32> to vector<1x1x1xf32>
    %reduce_sum3A_564 = vector.extract %reduce_sum3A_563[0, 0, 0] : f32 from vector<1x1x1xf32>
    %div3A_565 = arith.constant 6.553600e+04 : f32
    %div3A_566 = arith.divf %reduce_sum3A_564, %div3A_565 : f32
    %sub3A_567 = vector.broadcast %div3A_566 : f32 to vector<32x2048xf32>
    %sub3A_568 = arith.subf %slice3A_559, %sub3A_567 : vector<32x2048xf32>
    %mul3A_569 = arith.mulf %sub3A_568, %sub3A_568 : vector<32x2048xf32>
    %reduce_sum3A_570 = vector.shape_cast %mul3A_569 : vector<32x2048xf32> to vector<1x32x2048xf32>
    %reduce_sum3A_571 = arith.constant dense<0.000000e+00> : vector<1xf32>
    %reduce_sum3A_572 = vector.multi_reduction <add>, %reduce_sum3A_570, %reduce_sum3A_571 [1, 2] : vector<1x32x2048xf32> to vector<1xf32>
    %reduce_sum3A_573 = vector.shape_cast %reduce_sum3A_572 : vector<1xf32> to vector<1x1x1xf32>
    %reduce_sum3A_574 = vector.extract %reduce_sum3A_573[0, 0, 0] : f32 from vector<1x1x1xf32>
    %div3A_575 = arith.constant 6.553600e+04 : f32
    %div3A_576 = arith.divf %reduce_sum3A_574, %div3A_575 : f32
    %add3A_577 = arith.constant 9.99999974E-6 : f32
    %add3A_578 = arith.addf %div3A_576, %add3A_577 : f32
    %rsqrt3A_579 = math.rsqrt %add3A_578 : f32
    %mul3A_580 = vector.broadcast %rsqrt3A_579 : f32 to vector<32x2048xf32>
    %mul3A_581 = arith.mulf %sub3A_568, %mul3A_580 : vector<32x2048xf32>
    %concatenate3A_582 = tpu.concatenate %mul3A_512, %mul3A_535, %mul3A_558, %mul3A_581 in 0 : vector<32x2048xf32>, vector<32x2048xf32>, vector<32x2048xf32>, vector<32x2048xf32> -> vector<128x2048xf32>
    %mul3A_583 = vector.broadcast %get3A_354 : vector<128x1xf32> to vector<128x2048xf32>
    %mul3A_584 = arith.mulf %concatenate3A_582, %mul3A_583 : vector<128x2048xf32>
    %add3A_585 = vector.broadcast %get3A_357 : vector<128x1xf32> to vector<128x2048xf32>
    %add3A_586 = arith.addf %mul3A_584, %add3A_585 : vector<128x2048xf32>
    %mul3A_587 = arith.constant 5.000000e-01 : f32
    %mul3A_588 = vector.broadcast %mul3A_587 : f32 to vector<128x2048xf32>
    %mul3A_589 = arith.mulf %mul3A_588, %add3A_586 : vector<128x2048xf32>
    %integer_pow3A_590 = arith.mulf %add3A_586, %add3A_586 : vector<128x2048xf32>
    %integer_pow3A_591 = arith.mulf %add3A_586, %integer_pow3A_590 : vector<128x2048xf32>
    %mul3A_592 = arith.constant 4.471500e-02 : f32
    %mul3A_593 = vector.broadcast %mul3A_592 : f32 to vector<128x2048xf32>
    %mul3A_594 = arith.mulf %mul3A_593, %integer_pow3A_591 : vector<128x2048xf32>
    %add3A_595 = arith.addf %add3A_586, %mul3A_594 : vector<128x2048xf32>
    %mul3A_596 = arith.constant 0.797884583 : f32
    %mul3A_597 = vector.broadcast %mul3A_596 : f32 to vector<128x2048xf32>
    %mul3A_598 = arith.mulf %mul3A_597, %add3A_595 : vector<128x2048xf32>
    %tanh3A_599 = math.tanh %mul3A_598 : vector<128x2048xf32>
    %add3A_600 = arith.constant 1.000000e+00 : f32
    %add3A_601 = vector.broadcast %add3A_600 : f32 to vector<128x2048xf32>
    %add3A_602 = arith.addf %add3A_601, %tanh3A_599 : vector<128x2048xf32>
    %mul3A_603 = arith.mulf %mul3A_589, %add3A_602 : vector<128x2048xf32>
    %convert_element_type3A_604 = arith.truncf %get3A_360 : vector<256x128xf32> to vector<256x128xbf16>
    %convert_element_type3A_605 = arith.truncf %mul3A_603 : vector<128x2048xf32> to vector<128x2048xbf16>
    %dot_general3A_606 = arith.constant dense<0.000000e+00> : vector<256x2048xf32>
    %dot_general3A_607 = tpu.matmul %convert_element_type3A_604, %convert_element_type3A_605, %dot_general3A_606 {dimension_numbers = #tpu.dot_dimension_numbers<[1], [0], [0], [1], [0, 0, 1, 1], [], []>, transpose_lhs_hint = false} : vector<256x128xbf16>, vector<128x2048xbf16>, vector<256x2048xf32> -> vector<256x2048xf32>
    %add3A_608 = vector.broadcast %get3A_363 : vector<256x1xf32> to vector<256x2048xf32>
    %add3A_609 = arith.addf %dot_general3A_607, %add3A_608 : vector<256x2048xf32>
    %concatenate3A_610 = tpu.concatenate %add3A_333, %add3A_609 in 0 : vector<256x2048xf32>, vector<256x2048xf32> -> vector<512x2048xf32>
    %get3A_611 = arith.constant 0 : index
    %get3A_612 = arith.constant 0 : index
    %get3A_613 = vector.load %arg28[%get3A_611, %get3A_612] : memref<512x512xf32, #tpu.memory_space<vmem>>, vector<512x512xf32>
    %convert_element_type3A_614 = arith.truncf %get3A_613 : vector<512x512xf32> to vector<512x512xbf16>
    %convert_element_type3A_615 = arith.truncf %concatenate3A_610 : vector<512x2048xf32> to vector<512x2048xbf16>
    %dot_general3A_616 = arith.constant dense<0.000000e+00> : vector<512x2048xf32>
    %dot_general3A_617 = tpu.matmul %convert_element_type3A_614, %convert_element_type3A_615, %dot_general3A_616 {dimension_numbers = #tpu.dot_dimension_numbers<[1], [0], [0], [1], [0, 0, 1, 1], [], []>, transpose_lhs_hint = false} : vector<512x512xbf16>, vector<512x2048xbf16>, vector<512x2048xf32> -> vector<512x2048xf32>
    %get3A_618 = arith.constant 0 : index
    %get3A_619 = arith.constant 0 : index
    %get3A_620 = vector.load %arg29[%get3A_618, %get3A_619] : memref<512x1xf32, #tpu.memory_space<vmem>>, vector<512x1xf32>
    %add3A_621 = vector.broadcast %get3A_620 : vector<512x1xf32> to vector<512x2048xf32>
    %add3A_622 = arith.addf %dot_general3A_617, %add3A_621 : vector<512x2048xf32>
    %get3A_623 = arith.constant 0 : index
    %get3A_624 = arith.constant 0 : index
    %get3A_625 = vector.load %arg30[%get3A_623, %get3A_624] : memref<512x1xf32, #tpu.memory_space<vmem>>, vector<512x1xf32>
    %get3A_626 = arith.constant 0 : index
    %get3A_627 = arith.constant 0 : index
    %get3A_628 = vector.load %arg31[%get3A_626, %get3A_627] : memref<512x1xf32, #tpu.memory_space<vmem>>, vector<512x1xf32>
    %slice3A_629 = vector.extract_strided_slice %add3A_622 {offsets = [0, 0], sizes = [128, 2048], strides = [1, 1]} : vector<512x2048xf32> to vector<128x2048xf32>
    %reduce_sum3A_630 = vector.shape_cast %slice3A_629 : vector<128x2048xf32> to vector<1x128x2048xf32>
    %reduce_sum3A_631 = arith.constant dense<0.000000e+00> : vector<1xf32>
    %reduce_sum3A_632 = vector.multi_reduction <add>, %reduce_sum3A_630, %reduce_sum3A_631 [1, 2] : vector<1x128x2048xf32> to vector<1xf32>
    %reduce_sum3A_633 = vector.shape_cast %reduce_sum3A_632 : vector<1xf32> to vector<1x1x1xf32>
    %reduce_sum3A_634 = vector.extract %reduce_sum3A_633[0, 0, 0] : f32 from vector<1x1x1xf32>
    %div3A_635 = arith.constant 2.621440e+05 : f32
    %div3A_636 = arith.divf %reduce_sum3A_634, %div3A_635 : f32
    %sub3A_637 = vector.broadcast %div3A_636 : f32 to vector<128x2048xf32>
    %sub3A_638 = arith.subf %slice3A_629, %sub3A_637 : vector<128x2048xf32>
    %mul3A_639 = arith.mulf %sub3A_638, %sub3A_638 : vector<128x2048xf32>
    %reduce_sum3A_640 = vector.shape_cast %mul3A_639 : vector<128x2048xf32> to vector<1x128x2048xf32>
    %reduce_sum3A_641 = arith.constant dense<0.000000e+00> : vector<1xf32>
    %reduce_sum3A_642 = vector.multi_reduction <add>, %reduce_sum3A_640, %reduce_sum3A_641 [1, 2] : vector<1x128x2048xf32> to vector<1xf32>
    %reduce_sum3A_643 = vector.shape_cast %reduce_sum3A_642 : vector<1xf32> to vector<1x1x1xf32>
    %reduce_sum3A_644 = vector.extract %reduce_sum3A_643[0, 0, 0] : f32 from vector<1x1x1xf32>
    %div3A_645 = arith.constant 2.621440e+05 : f32
    %div3A_646 = arith.divf %reduce_sum3A_644, %div3A_645 : f32
    %add3A_647 = arith.constant 9.99999974E-6 : f32
    %add3A_648 = arith.addf %div3A_646, %add3A_647 : f32
    %rsqrt3A_649 = math.rsqrt %add3A_648 : f32
    %mul3A_650 = vector.broadcast %rsqrt3A_649 : f32 to vector<128x2048xf32>
    %mul3A_651 = arith.mulf %sub3A_638, %mul3A_650 : vector<128x2048xf32>
    %slice3A_652 = vector.extract_strided_slice %add3A_622 {offsets = [128, 0], sizes = [128, 2048], strides = [1, 1]} : vector<512x2048xf32> to vector<128x2048xf32>
    %reduce_sum3A_653 = vector.shape_cast %slice3A_652 : vector<128x2048xf32> to vector<1x128x2048xf32>
    %reduce_sum3A_654 = arith.constant dense<0.000000e+00> : vector<1xf32>
    %reduce_sum3A_655 = vector.multi_reduction <add>, %reduce_sum3A_653, %reduce_sum3A_654 [1, 2] : vector<1x128x2048xf32> to vector<1xf32>
    %reduce_sum3A_656 = vector.shape_cast %reduce_sum3A_655 : vector<1xf32> to vector<1x1x1xf32>
    %reduce_sum3A_657 = vector.extract %reduce_sum3A_656[0, 0, 0] : f32 from vector<1x1x1xf32>
    %div3A_658 = arith.constant 2.621440e+05 : f32
    %div3A_659 = arith.divf %reduce_sum3A_657, %div3A_658 : f32
    %sub3A_660 = vector.broadcast %div3A_659 : f32 to vector<128x2048xf32>
    %sub3A_661 = arith.subf %slice3A_652, %sub3A_660 : vector<128x2048xf32>
    %mul3A_662 = arith.mulf %sub3A_661, %sub3A_661 : vector<128x2048xf32>
    %reduce_sum3A_663 = vector.shape_cast %mul3A_662 : vector<128x2048xf32> to vector<1x128x2048xf32>
    %reduce_sum3A_664 = arith.constant dense<0.000000e+00> : vector<1xf32>
    %reduce_sum3A_665 = vector.multi_reduction <add>, %reduce_sum3A_663, %reduce_sum3A_664 [1, 2] : vector<1x128x2048xf32> to vector<1xf32>
    %reduce_sum3A_666 = vector.shape_cast %reduce_sum3A_665 : vector<1xf32> to vector<1x1x1xf32>
    %reduce_sum3A_667 = vector.extract %reduce_sum3A_666[0, 0, 0] : f32 from vector<1x1x1xf32>
    %div3A_668 = arith.constant 2.621440e+05 : f32
    %div3A_669 = arith.divf %reduce_sum3A_667, %div3A_668 : f32
    %add3A_670 = arith.constant 9.99999974E-6 : f32
    %add3A_671 = arith.addf %div3A_669, %add3A_670 : f32
    %rsqrt3A_672 = math.rsqrt %add3A_671 : f32
    %mul3A_673 = vector.broadcast %rsqrt3A_672 : f32 to vector<128x2048xf32>
    %mul3A_674 = arith.mulf %sub3A_661, %mul3A_673 : vector<128x2048xf32>
    %slice3A_675 = vector.extract_strided_slice %add3A_622 {offsets = [256, 0], sizes = [128, 2048], strides = [1, 1]} : vector<512x2048xf32> to vector<128x2048xf32>
    %reduce_sum3A_676 = vector.shape_cast %slice3A_675 : vector<128x2048xf32> to vector<1x128x2048xf32>
    %reduce_sum3A_677 = arith.constant dense<0.000000e+00> : vector<1xf32>
    %reduce_sum3A_678 = vector.multi_reduction <add>, %reduce_sum3A_676, %reduce_sum3A_677 [1, 2] : vector<1x128x2048xf32> to vector<1xf32>
    %reduce_sum3A_679 = vector.shape_cast %reduce_sum3A_678 : vector<1xf32> to vector<1x1x1xf32>
    %reduce_sum3A_680 = vector.extract %reduce_sum3A_679[0, 0, 0] : f32 from vector<1x1x1xf32>
    %div3A_681 = arith.constant 2.621440e+05 : f32
    %div3A_682 = arith.divf %reduce_sum3A_680, %div3A_681 : f32
    %sub3A_683 = vector.broadcast %div3A_682 : f32 to vector<128x2048xf32>
    %sub3A_684 = arith.subf %slice3A_675, %sub3A_683 : vector<128x2048xf32>
    %mul3A_685 = arith.mulf %sub3A_684, %sub3A_684 : vector<128x2048xf32>
    %reduce_sum3A_686 = vector.shape_cast %mul3A_685 : vector<128x2048xf32> to vector<1x128x2048xf32>
    %reduce_sum3A_687 = arith.constant dense<0.000000e+00> : vector<1xf32>
    %reduce_sum3A_688 = vector.multi_reduction <add>, %reduce_sum3A_686, %reduce_sum3A_687 [1, 2] : vector<1x128x2048xf32> to vector<1xf32>
    %reduce_sum3A_689 = vector.shape_cast %reduce_sum3A_688 : vector<1xf32> to vector<1x1x1xf32>
    %reduce_sum3A_690 = vector.extract %reduce_sum3A_689[0, 0, 0] : f32 from vector<1x1x1xf32>
    %div3A_691 = arith.constant 2.621440e+05 : f32
    %div3A_692 = arith.divf %reduce_sum3A_690, %div3A_691 : f32
    %add3A_693 = arith.constant 9.99999974E-6 : f32
    %add3A_694 = arith.addf %div3A_692, %add3A_693 : f32
    %rsqrt3A_695 = math.rsqrt %add3A_694 : f32
    %mul3A_696 = vector.broadcast %rsqrt3A_695 : f32 to vector<128x2048xf32>
    %mul3A_697 = arith.mulf %sub3A_684, %mul3A_696 : vector<128x2048xf32>
    %slice3A_698 = vector.extract_strided_slice %add3A_622 {offsets = [384, 0], sizes = [128, 2048], strides = [1, 1]} : vector<512x2048xf32> to vector<128x2048xf32>
    %reduce_sum3A_699 = vector.shape_cast %slice3A_698 : vector<128x2048xf32> to vector<1x128x2048xf32>
    %reduce_sum3A_700 = arith.constant dense<0.000000e+00> : vector<1xf32>
    %reduce_sum3A_701 = vector.multi_reduction <add>, %reduce_sum3A_699, %reduce_sum3A_700 [1, 2] : vector<1x128x2048xf32> to vector<1xf32>
    %reduce_sum3A_702 = vector.shape_cast %reduce_sum3A_701 : vector<1xf32> to vector<1x1x1xf32>
    %reduce_sum3A_703 = vector.extract %reduce_sum3A_702[0, 0, 0] : f32 from vector<1x1x1xf32>
    %div3A_704 = arith.constant 2.621440e+05 : f32
    %div3A_705 = arith.divf %reduce_sum3A_703, %div3A_704 : f32
    %sub3A_706 = vector.broadcast %div3A_705 : f32 to vector<128x2048xf32>
    %sub3A_707 = arith.subf %slice3A_698, %sub3A_706 : vector<128x2048xf32>
    %mul3A_708 = arith.mulf %sub3A_707, %sub3A_707 : vector<128x2048xf32>
    %reduce_sum3A_709 = vector.shape_cast %mul3A_708 : vector<128x2048xf32> to vector<1x128x2048xf32>
    %reduce_sum3A_710 = arith.constant dense<0.000000e+00> : vector<1xf32>
    %reduce_sum3A_711 = vector.multi_reduction <add>, %reduce_sum3A_709, %reduce_sum3A_710 [1, 2] : vector<1x128x2048xf32> to vector<1xf32>
    %reduce_sum3A_712 = vector.shape_cast %reduce_sum3A_711 : vector<1xf32> to vector<1x1x1xf32>
    %reduce_sum3A_713 = vector.extract %reduce_sum3A_712[0, 0, 0] : f32 from vector<1x1x1xf32>
    %div3A_714 = arith.constant 2.621440e+05 : f32
    %div3A_715 = arith.divf %reduce_sum3A_713, %div3A_714 : f32
    %add3A_716 = arith.constant 9.99999974E-6 : f32
    %add3A_717 = arith.addf %div3A_715, %add3A_716 : f32
    %rsqrt3A_718 = math.rsqrt %add3A_717 : f32
    %mul3A_719 = vector.broadcast %rsqrt3A_718 : f32 to vector<128x2048xf32>
    %mul3A_720 = arith.mulf %sub3A_707, %mul3A_719 : vector<128x2048xf32>
    %concatenate3A_721 = tpu.concatenate %mul3A_651, %mul3A_674, %mul3A_697, %mul3A_720 in 0 : vector<128x2048xf32>, vector<128x2048xf32>, vector<128x2048xf32>, vector<128x2048xf32> -> vector<512x2048xf32>
    %mul3A_722 = vector.broadcast %get3A_625 : vector<512x1xf32> to vector<512x2048xf32>
    %mul3A_723 = arith.mulf %concatenate3A_721, %mul3A_722 : vector<512x2048xf32>
    %add3A_724 = vector.broadcast %get3A_628 : vector<512x1xf32> to vector<512x2048xf32>
    %add3A_725 = arith.addf %mul3A_723, %add3A_724 : vector<512x2048xf32>
    %mul3A_726 = arith.constant 5.000000e-01 : f32
    %mul3A_727 = vector.broadcast %mul3A_726 : f32 to vector<512x2048xf32>
    %mul3A_728 = arith.mulf %mul3A_727, %add3A_725 : vector<512x2048xf32>
    %integer_pow3A_729 = arith.mulf %add3A_725, %add3A_725 : vector<512x2048xf32>
    %integer_pow3A_730 = arith.mulf %add3A_725, %integer_pow3A_729 : vector<512x2048xf32>
    %mul3A_731 = arith.constant 4.471500e-02 : f32
    %mul3A_732 = vector.broadcast %mul3A_731 : f32 to vector<512x2048xf32>
    %mul3A_733 = arith.mulf %mul3A_732, %integer_pow3A_730 : vector<512x2048xf32>
    %add3A_734 = arith.addf %add3A_725, %mul3A_733 : vector<512x2048xf32>
    %mul3A_735 = arith.constant 0.797884583 : f32
    %mul3A_736 = vector.broadcast %mul3A_735 : f32 to vector<512x2048xf32>
    %mul3A_737 = arith.mulf %mul3A_736, %add3A_734 : vector<512x2048xf32>
    %tanh3A_738 = math.tanh %mul3A_737 : vector<512x2048xf32>
    %add3A_739 = arith.constant 1.000000e+00 : f32
    %add3A_740 = vector.broadcast %add3A_739 : f32 to vector<512x2048xf32>
    %add3A_741 = arith.addf %add3A_740, %tanh3A_738 : vector<512x2048xf32>
    %mul3A_742 = arith.mulf %mul3A_728, %add3A_741 : vector<512x2048xf32>
    %get3A_743 = arith.constant 0 : index
    %get3A_744 = arith.constant 0 : index
    %get3A_745 = vector.load %arg32[%get3A_743, %get3A_744] : memref<512x512xf32, #tpu.memory_space<vmem>>, vector<512x512xf32>
    %convert_element_type3A_746 = arith.truncf %get3A_745 : vector<512x512xf32> to vector<512x512xbf16>
    %convert_element_type3A_747 = arith.truncf %mul3A_742 : vector<512x2048xf32> to vector<512x2048xbf16>
    %dot_general3A_748 = arith.constant dense<0.000000e+00> : vector<512x2048xf32>
    %dot_general3A_749 = tpu.matmul %convert_element_type3A_746, %convert_element_type3A_747, %dot_general3A_748 {dimension_numbers = #tpu.dot_dimension_numbers<[1], [0], [0], [1], [0, 0, 1, 1], [], []>, transpose_lhs_hint = false} : vector<512x512xbf16>, vector<512x2048xbf16>, vector<512x2048xf32> -> vector<512x2048xf32>
    %get3A_750 = arith.constant 0 : index
    %get3A_751 = arith.constant 0 : index
    %get3A_752 = vector.load %arg33[%get3A_750, %get3A_751] : memref<512x1xf32, #tpu.memory_space<vmem>>, vector<512x1xf32>
    %add3A_753 = vector.broadcast %get3A_752 : vector<512x1xf32> to vector<512x2048xf32>
    %add3A_754 = arith.addf %dot_general3A_749, %add3A_753 : vector<512x2048xf32>
    %swap3A = arith.constant 0 : index
    %swap3A_755 = arith.constant 0 : index
    %swap3A_756 = arith.constant 0 : index
    %swap3A_757 = vector.load %arg34[%swap3A, %swap3A_755, %swap3A_756] : memref<1x512x2048xf32, #tpu.memory_space<vmem>>, vector<1x512x2048xf32>
    %swap3A_758 = vector.shape_cast %swap3A_757 : vector<1x512x2048xf32> to vector<512x2048xf32>
    %swap3A_759 = vector.shape_cast %add3A_754 : vector<512x2048xf32> to vector<1x512x2048xf32>
    tpu.vector_store %arg34[%swap3A, %swap3A_755, %swap3A_756], %swap3A_759 {strides = array<i32>} : memref<1x512x2048xf32, #tpu.memory_space<vmem>>, vector<1x512x2048xf32>,
    return
  }
  func.func @transform_0(%arg0: i32) -> (i32, i32, i32) {
    %c0_i32 = arith.constant 0 : i32
    %c0_i32_0 = arith.constant 0 : i32
    %c0_i32_1 = arith.constant 0 : i32
    return %arg0, %c0_i32, %c0_i32_0 : i32, i32, i32
  }
  func.func @transform_1(%arg0: i32) -> (i32, i32, i32, i32) {
    %c0_i32 = arith.constant 0 : i32
    %c0_i32_0 = arith.constant 0 : i32
    %c0_i32_1 = arith.constant 0 : i32
    %c0_i32_2 = arith.constant 0 : i32
    return %arg0, %c0_i32, %c0_i32_0, %c0_i32_1 : i32, i32, i32, i32
  }
  func.func @transform_2(%arg0: i32) -> (i32, i32, i32, i32) {
    %c0_i32 = arith.constant 0 : i32
    %c0_i32_0 = arith.constant 0 : i32
    %c0_i32_1 = arith.constant 0 : i32
    %c0_i32_2 = arith.constant 0 : i32
    return %arg0, %c0_i32, %c0_i32_0, %c0_i32_1 : i32, i32, i32, i32
  }
  func.func @transform_3(%arg0: i32) -> (i32, i32) {
    %c0_i32 = arith.constant 0 : i32
    %c0_i32_0 = arith.constant 0 : i32
    %c0_i32_1 = arith.constant 0 : i32
    return %c0_i32, %c0_i32_0 : i32, i32
  }
  func.func @transform_4(%arg0: i32) -> (i32, i32) {
    %c0_i32 = arith.constant 0 : i32
    %c0_i32_0 = arith.constant 0 : i32
    %c0_i32_1 = arith.constant 0 : i32
    return %c0_i32, %c0_i32_0 : i32, i32
  }
  func.func @transform_5(%arg0: i32) -> (i32, i32) {
    %c0_i32 = arith.constant 0 : i32
    %c0_i32_0 = arith.constant 0 : i32
    %c0_i32_1 = arith.constant 0 : i32
    return %c0_i32, %c0_i32_0 : i32, i32
  }
  func.func @transform_6(%arg0: i32) -> (i32, i32) {
    %c0_i32 = arith.constant 0 : i32
    %c0_i32_0 = arith.constant 0 : i32
    %c0_i32_1 = arith.constant 0 : i32
    return %c0_i32, %c0_i32_0 : i32, i32
  }
  func.func @transform_7(%arg0: i32) -> (i32, i32) {
    %c0_i32 = arith.constant 0 : i32
    %c0_i32_0 = arith.constant 0 : i32
    %c0_i32_1 = arith.constant 0 : i32
    return %c0_i32, %c0_i32_0 : i32, i32
  }
  func.func @transform_8(%arg0: i32) -> (i32, i32) {
    %c0_i32 = arith.constant 0 : i32
    %c0_i32_0 = arith.constant 0 : i32
    %c0_i32_1 = arith.constant 0 : i32
    return %c0_i32, %c0_i32_0 : i32, i32
  }
  func.func @transform_9(%arg0: i32) -> (i32, i32) {
    %c0_i32 = arith.constant 0 : i32
    %c0_i32_0 = arith.constant 0 : i32
    %c0_i32_1 = arith.constant 0 : i32
    return %c0_i32, %c0_i32_0 : i32, i32
  }
  func.func @transform_10(%arg0: i32) -> (i32, i32) {
    %c0_i32 = arith.constant 0 : i32
    %c0_i32_0 = arith.constant 0 : i32
    %c0_i32_1 = arith.constant 0 : i32
    return %c0_i32, %c0_i32_0 : i32, i32
  }
  func.func @transform_11(%arg0: i32) -> (i32, i32) {
    %c0_i32 = arith.constant 0 : i32
    %c0_i32_0 = arith.constant 0 : i32
    %c0_i32_1 = arith.constant 0 : i32
    return %c0_i32, %c0_i32_0 : i32, i32
  }
  func.func @transform_12(%arg0: i32) -> (i32, i32) {
    %c0_i32 = arith.constant 0 : i32
    %c0_i32_0 = arith.constant 0 : i32
    %c0_i32_1 = arith.constant 0 : i32
    return %c0_i32, %c0_i32_0 : i32, i32
  }
  func.func @transform_13(%arg0: i32) -> (i32, i32) {
    %c0_i32 = arith.constant 0 : i32
    %c0_i32_0 = arith.constant 0 : i32
    %c0_i32_1 = arith.constant 0 : i32
    return %c0_i32, %c0_i32_0 : i32, i32
  }
  func.func @transform_14(%arg0: i32) -> (i32, i32) {
    %c0_i32 = arith.constant 0 : i32
    %c0_i32_0 = arith.constant 0 : i32
    %c0_i32_1 = arith.constant 0 : i32
    return %c0_i32, %c0_i32_0 : i32, i32
  }
  func.func @transform_15(%arg0: i32) -> (i32, i32) {
    %c0_i32 = arith.constant 0 : i32
    %c0_i32_0 = arith.constant 0 : i32
    %c0_i32_1 = arith.constant 0 : i32
    return %c0_i32, %c0_i32_0 : i32, i32
  }
  func.func @transform_16(%arg0: i32) -> (i32, i32) {
    %c0_i32 = arith.constant 0 : i32
    %c0_i32_0 = arith.constant 0 : i32
    %c0_i32_1 = arith.constant 0 : i32
    return %c0_i32, %c0_i32_0 : i32, i32
  }
  func.func @transform_17(%arg0: i32) -> (i32, i32) {
    %c0_i32 = arith.constant 0 : i32
    %c0_i32_0 = arith.constant 0 : i32
    %c0_i32_1 = arith.constant 0 : i32
    return %c0_i32, %c0_i32_0 : i32, i32
  }
  func.func @transform_18(%arg0: i32) -> (i32, i32) {
    %c0_i32 = arith.constant 0 : i32
    %c0_i32_0 = arith.constant 0 : i32
    %c0_i32_1 = arith.constant 0 : i32
    return %c0_i32, %c0_i32_0 : i32, i32
  }
  func.func @transform_19(%arg0: i32) -> (i32, i32) {
    %c0_i32 = arith.constant 0 : i32
    %c0_i32_0 = arith.constant 0 : i32
    %c0_i32_1 = arith.constant 0 : i32
    return %c0_i32, %c0_i32_0 : i32, i32
  }
  func.func @transform_20(%arg0: i32) -> (i32, i32) {
    %c0_i32 = arith.constant 0 : i32
    %c0_i32_0 = arith.constant 0 : i32
    %c0_i32_1 = arith.constant 0 : i32
    return %c0_i32, %c0_i32_0 : i32, i32
  }
  func.func @transform_21(%arg0: i32) -> (i32, i32) {
    %c0_i32 = arith.constant 0 : i32
    %c0_i32_0 = arith.constant 0 : i32
    %c0_i32_1 = arith.constant 0 : i32
    return %c0_i32, %c0_i32_0 : i32, i32
  }
  func.func @transform_22(%arg0: i32) -> (i32, i32) {
    %c0_i32 = arith.constant 0 : i32
    %c0_i32_0 = arith.constant 0 : i32
    %c0_i32_1 = arith.constant 0 : i32
    return %c0_i32, %c0_i32_0 : i32, i32
  }
  func.func @transform_23(%arg0: i32) -> (i32, i32) {
    %c0_i32 = arith.constant 0 : i32
    %c0_i32_0 = arith.constant 0 : i32
    %c0_i32_1 = arith.constant 0 : i32
    return %c0_i32, %c0_i32_0 : i32, i32
  }
  func.func @transform_24(%arg0: i32) -> (i32, i32) {
    %c0_i32 = arith.constant 0 : i32
    %c0_i32_0 = arith.constant 0 : i32
    %c0_i32_1 = arith.constant 0 : i32
    return %c0_i32, %c0_i32_0 : i32, i32
  }
  func.func @transform_25(%arg0: i32) -> (i32, i32) {
    %c0_i32 = arith.constant 0 : i32
    %c0_i32_0 = arith.constant 0 : i32
    %c0_i32_1 = arith.constant 0 : i32
    return %c0_i32, %c0_i32_0 : i32, i32
  }
  func.func @transform_26(%arg0: i32) -> (i32, i32) {
    %c0_i32 = arith.constant 0 : i32
    %c0_i32_0 = arith.constant 0 : i32
    %c0_i32_1 = arith.constant 0 : i32
    return %c0_i32, %c0_i32_0 : i32, i32
  }
  func.func @transform_27(%arg0: i32) -> (i32, i32) {
    %c0_i32 = arith.constant 0 : i32
    %c0_i32_0 = arith.constant 0 : i32
    %c0_i32_1 = arith.constant 0 : i32
    return %c0_i32, %c0_i32_0 : i32, i32
  }
  func.func @transform_28(%arg0: i32) -> (i32, i32) {
    %c0_i32 = arith.constant 0 : i32
    %c0_i32_0 = arith.constant 0 : i32
    %c0_i32_1 = arith.constant 0 : i32
    return %c0_i32, %c0_i32_0 : i32, i32
  }
  func.func @transform_29(%arg0: i32) -> (i32, i32) {
    %c0_i32 = arith.constant 0 : i32
    %c0_i32_0 = arith.constant 0 : i32
    %c0_i32_1 = arith.constant 0 : i32
    return %c0_i32, %c0_i32_0 : i32, i32
  }
  func.func @transform_30(%arg0: i32) -> (i32, i32) {
    %c0_i32 = arith.constant 0 : i32
    %c0_i32_0 = arith.constant 0 : i32
    %c0_i32_1 = arith.constant 0 : i32
    return %c0_i32, %c0_i32_0 : i32, i32
  }
  func.func @transform_31(%arg0: i32) -> (i32, i32) {
    %c0_i32 = arith.constant 0 : i32
    %c0_i32_0 = arith.constant 0 : i32
    %c0_i32_1 = arith.constant 0 : i32
    return %c0_i32, %c0_i32_0 : i32, i32
  }
  func.func @transform_32(%arg0: i32) -> (i32, i32) {
    %c0_i32 = arith.constant 0 : i32
    %c0_i32_0 = arith.constant 0 : i32
    %c0_i32_1 = arith.constant 0 : i32
    return %c0_i32, %c0_i32_0 : i32, i32
  }
  func.func @transform_33(%arg0: i32) -> (i32, i32, i32) {
    %c0_i32 = arith.constant 0 : i32
    %c0_i32_0 = arith.constant 0 : i32
    %c0_i32_1 = arith.constant 0 : i32
    return %arg0, %c0_i32, %c0_i32_0 : i32, i32, i32
  }
}

</mosaic_0001>

<sc_bundles>
// kernel: kernel.5.cloned.1.call-start
scs
__scs_entry_jumppad:
0x0: {  	(pc) =	sbr.rel $0x88, $3  }
0x1: {  	(tag) =	ssettag $0x0;
	lr =	simm.s32 $0x1  }
0x2: {  	[smem:$0x3F82] =	sst lr;
	_ =	strace $0xD0000000  }
0x3: {  	_ = 	snop  }
0x4: {  	_ = 	snop  }
0x5: {  	_ = 	snop  }
0x6: {  	_ = 	snop  }
0x7: {  	_ = 	snop  }
__scs_overlays_trampoline_lowered:
0x8: {  	[smem:$0x3F91] =	sst s0  }
0x9: {  	[smem:$0x3F92] =	sst s1  }
0xa: {  	[smem:$0x3F93] =	sst s2  }
0xb: {  	[smem:$0x3F94] =	sst s3  }
0xc: {  	[smem:$0x3F95] =	sst s4  }
0xd: {  	[smem:$0x3F96] =	sst s5  }
0xe: {  	[smem:$0x3F97] =	sst s6  }
0xf: {  	[smem:$0x3F98] =	sst s7  }
0x10: {  	[smem:$0x3F99] =	sst s8  }
0x11: {  	[smem:$0x3F9A] =	sst s9;
	s0 =	simm.s32 @!p0 $0x0  }
0x12: {  	s1 =	sld [smem:$0x3F80];
	s0 =	simm.s32 @p0 $0x1  }
0x13: {  	[smem:$0x3F9B] =	sst s0;
	s0 =	simm.s32 @!p1 $0x0  }
0x14: {  	s2 =	sld [smem:$0x3F7F];
	s0 =	simm.s32 @p1 $0x1  }
0x15: {  	[smem:$0x3F9C] =	sst s0;
	s0 =	simm.s32 @!p2 $0x0  }
0x16: {  	s3 =	sld [smem:$0x3FDB];
	s0 =	simm.s32 @p2 $0x1  }
0x17: {  	s4 =	simm.s32 $0x1BF5;
	[smem:$0x3F9E] =	sst s0  }
0x18: {  	s0 =	sld [smem:$0x3F81];
	_ =	swait.ge [sflag:s4], $0x0  }
0x19: {  	s7 =	sld [smem:$0x3F82]  }
0x1a: {  	s8 =	sadd.s32 $0xFFFFE003, lr  }
0x1b: {  	s9 =	sadd.s32 $0xFFFFFEF7, lr;
	s5 =	simm.s32 $0xFFFFFFFF;
	p2 =	slt.u32 s8, $0xFFFFF086  }
0x1c: {  	p1 =	slt.u32 s9, $0xF7A;
	s5 =	simm.s32 @!p2 $0x0  }
0x1d: {  	s5 =	simm.s32 @p1 $0x1;
	p0 =	seq.s32 s7, s2  }
0x1e: {  	s7 =	smul.u32 @!p0 $0xF7A, s2;
	p2 =	seq.s32 @!p0 s5, $0x0  }
0x1f: {  	s9 =	smul.u32 $0xF7A, s1;
	s8 =	simm.s32 @!p0 $0x1BF5;
	p2 =	por !p2, p0  }
0x20: {  	[sflag:s8] =	ssyncset.s32 @!p0 $0xFFFFF086;
	s6 =	sadd.s32 @!p0 s3, s7;
	s7 =	simm.s32 @!p0 $0x108  }
0x21: {  	s3 =	sadd.s32 s3, s9;
	s6 =	sadd.s32 @!p0 $0x88, s6;
	s7 =	simm.s32 @p2 $0x1082  }
0x22: {  	[simem:s7], [sflag:s8] =	dma.local @!p0 [hbm:s6], $0xF7A  }
0x23: {  	s9 =	sor.u32 $0xD0000000, s2;
	s6 =	simm.s32 $0x108;
	_ =	swait.ge @!p0 [sflag:s8], $0x0  }
0x24: {  	s3 =	sadd.s32 $0x88, s3;
	s6 =	simm.s32 @!p1 $0x1082;
	[sflag:s4] =	ssyncset.s32 $0xFFFFF086  }
0x25: {  	[simem:s6], [sflag:s4] =	dma.local [hbm:s3], $0xF7A  }
0x26: {  	[smem:$0x3F82] =	sst s1;
	(tag) =	ssettag s2;
	_ =	strace s9  }
0x27: {  	s1 =	sld [smem:$0x3F92]  }
0x28: {  	s2 =	sld [smem:$0x3F93]  }
0x29: {  	s4 =	sld [smem:$0x3F95]  }
0x2a: {  	p0 =	seq.s32 s5, $0x0;
	s5 =	sld [smem:$0x3F96]  }
0x2b: {  	s6 =	sld [smem:$0x3F97]  }
0x2c: {  	s7 =	sld [smem:$0x3F98]  }
0x2d: {  	s3 =	simm.s32 $0x108;
	s8 =	sld [smem:$0x3F99]  }
0x2e: {  	s3 =	simm.s32 @!p0 $0x1082;
	s9 =	sld [smem:$0x3F9A]  }
0x2f: {  	lr =	sadd.s32 s0, s3;
	s0 =	sld [smem:$0x3F91]  }
0x30: {  	s3 =	sld [smem:$0x3F94]  }
0x31: {  	[smem:$0x3F9D] =	sst s10  }
0x32: {  	s10 =	sld [smem:$0x3F9B];
	_ =	sdelay $0x3  }
0x33: {  	p0 =	seq.s32 s10, $0x1;
	s10 =	sld [smem:$0x3F9D];
	_ =	sdelay $0x3  }
0x34: {  	[smem:$0x3F9D] =	sst s10  }
0x35: {  	s10 =	sld [smem:$0x3F9C];
	_ =	sdelay $0x3  }
0x36: {  	p1 =	seq.s32 s10, $0x1;
	s10 =	sld [smem:$0x3F9D];
	_ =	sdelay $0x3  }
0x37: {  	[smem:$0x3F9D] =	sst s10  }
0x38: {  	s10 =	sld [smem:$0x3F9E]  }
0x39: {  	_ = 	snop;
	(pc) =	sbr.ind lr, $3  }
0x3a: {  	_ = 	snop  }
0x3b: {  	_ = 	snop  }
0x3c: {  	p2 =	seq.s32 s10, $0x1;
	s10 =	sld [smem:$0x3F9D]  }
0x3d: {  	_ =	shalt  }
0x3e: {  	_ =	shalt  }
0x3f: {  	_ =	shalt  }
0x40: {  	_ =	shalt  }
0x41: {  	_ =	shalt  }
0x42: {  	_ =	shalt  }
0x43: {  	_ =	shalt  }
0x44: {  	_ =	shalt  }
0x45: {  	_ =	shalt  }
0x46: {  	_ =	shalt  }
0x47: {  	_ =	shalt  }
0x48: {  	_ =	shalt  }
0x49: {  	_ =	shalt  }
0x4a: {  	_ =	shalt  }
0x4b: {  	_ =	shalt  }
0x4c: {  	_ =	shalt  }
0x4d: {  	_ =	shalt  }
0x4e: {  	_ =	shalt  }
0x4f: {  	_ =	shalt  }
0x50: {  	_ =	shalt  }
0x51: {  	_ =	shalt  }
0x52: {  	_ =	shalt  }
0x53: {  	_ =	shalt  }
0x54: {  	_ =	shalt  }
0x55: {  	_ =	shalt  }
0x56: {  	_ =	shalt  }
0x57: {  	_ =	shalt  }
0x58: {  	_ =	shalt  }
0x59: {  	_ =	shalt  }
0x5a: {  	_ =	shalt  }
0x5b: {  	_ =	shalt  }
0x5c: {  	_ =	shalt  }
0x5d: {  	_ =	shalt  }
0x5e: {  	_ =	shalt  }
0x5f: {  	_ =	shalt  }
0x60: {  	_ =	shalt  }
0x61: {  	_ =	shalt  }
0x62: {  	_ =	shalt  }
0x63: {  	_ =	shalt  }
0x64: {  	_ =	shalt  }
0x65: {  	_ =	shalt  }
0x66: {  	_ =	shalt  }
0x67: {  	_ =	shalt  }
0x68: {  	_ =	shalt  }
0x69: {  	_ =	shalt  }
0x6a: {  	_ =	shalt  }
0x6b: {  	_ =	shalt  }
0x6c: {  	_ =	shalt  }
0x6d: {  	_ =	shalt  }
0x6e: {  	_ =	shalt  }
0x6f: {  	_ =	shalt  }
0x70: {  	_ =	shalt  }
0x71: {  	_ =	shalt  }
0x72: {  	_ =	shalt  }
0x73: {  	_ =	shalt  }
0x74: {  	_ =	shalt  }
0x75: {  	_ =	shalt  }
0x76: {  	_ =	shalt  }
0x77: {  	_ =	shalt  }
0x78: {  	_ =	shalt  }
0x79: {  	_ =	shalt  }
0x7a: {  	_ =	shalt  }
0x7b: {  	_ =	shalt  }
0x7c: {  	_ =	shalt  }
0x7d: {  	_ =	shalt  }
0x7e: {  	_ =	shalt  }
0x7f: {  	_ =	shalt  }
0x80: {  	_ =	shalt  }
0x81: {  	_ =	shalt  }
0x82: {  	_ =	shalt  }
0x83: {  	_ =	shalt  }
0x84: {  	_ =	shalt  }
0x85: {  	_ =	shalt  }
0x86: {  	_ =	shalt  }
0x87: {  	_ =	shalt  }
.Lfunc_end0:
.L_simem_size_0:
called_computation_lowered:
.L_overlay_start_0:
0x88: {  	s2 =	sld [smem:$0x3FD9]  }
0x89: {  	s3 =	sld [smem:$0x3FFE];
	_ =	sdelay $0x1  }
0x8a: {  	s1 =	srdreg.scid  }
0x8b: {  	s0 =	sand.u32 $0x1, s1  }
0x8c: {  	s17 =	sshll.u32 s0, $0xA;
	s2 =	sadd.s32 s3, s2  }
0x8d: {  	s2 =	sadd.s32 s2, s17  }
0x8e: {  	[smem:$0x3FA9] =	sst s2  }
0x8f: {  	_ = 	snop  }
0x90: {  	s2 =	sld [smem:$0x3FD0];
	(tm) =	ssettm $0x1  }
0x91: {  	s18 =	sld [smem:$0x3FFB];
	_ =	sdelay $0x3  }
0x92: {  	_ =	strace s18  }
0x93: {  	s3 =	sld [smem:$0x3FFC];
	_ =	sdelay $0x3  }
0x94: {  	_ =	strace s3  }
0x95: {  	s3 =	sld [smem:$0x3FFD];
	_ =	sdelay $0x3  }
0x96: {  	_ =	strace s3  }
0x97: {  	_ =	strace $0x8FFFFFFF  }
0x98: {  	s19 =	sld [smem:$0x3FDB];
	_ =	sdelay $0x1  }
0x99: {  	s4 =	simm.s32 $_scs_section_size  }
0x9a: {  	s5 =	simm.s32 $_size__tile_overlayer_lowered;
	s6 =	simm.s32 $_tile_overlayer_lowered  }
0x9b: {  	s22 =	simm.s32 $0x1BFF;
	s21 =	sshll.u32 s6, $0x1;
	s3 =	sadd.s32 s4, s19  }
0x9c: {  	s7 =	simm.s32 $0x0;
	s20 =	sshll.u32 s5, $0x1;
	s5 =	sadd.s32 s21, s3  }
0x9d: {  	[timem:s7], [sflag:s22] =	dma.local [hbm:s5], s20  }
0x9e: {  	_ =	swait.ge [sflag:s22], s20  }
0x9f: {  	s4 =	ssub.s32 $0x0, s20;
	[sflag:s22] =	ssyncset.done $0x0  }
0xa0: {  	[sflag:s22] =	ssyncadd.s32 s4;
	_ =	sdelay $0x1  }
0xa1: {  	s23 =	simm.s32 $0x1B8B  }
0xa2: {  	_ =	swait.ge [sflag:s23], $0x1  }
0xa3: {  	[sflag:s23] =	ssyncset.done $0x0  }
0xa4: {  	s25 =	simm.s32 $0x1B8E;
	s24 =	sld [smem:$0x3FFE];
	[sflag:s23] =	ssyncadd.s32 $0xFFFFFFFF  }
0xa5: {  	s26 =	simm.s32 $execute0_lowered;
	[smem:$0x3FD2] =	sst s25  }
0xa6: {  	s5 =	sshll.u32 s26, $0x1;
	_ =	strace $0x80000046;
	[dreg:$0x1] =	wrdreg $0xFFFFFFFF  }
0xa7: {  	s28 =	simm.s32 $_size_execute0_lowered;
	s3 =	sadd.s32 s3, s5;
	[dreg:$0x0] =	wrdreg $0x0  }
0xa8: {  	s5 =	sshll.u32 s28, $0x1;
	[dreg:$0x2] =	wrdreg s3  }
0xa9: {  	[dreg:$0x3] =	wrdreg s5  }
0xaa: {  	[dreg:$0x4] =	wrdreg $0xC0  }
0xab: {  	_ =	task [dreg:s7], $0x5FFFF  }
0xac: {  	[dreg:$0x1] =	wrdreg $0xFFFFFFFF  }
0xad: {  	[dreg:$0x0] =	wrdreg $0x60  }
0xae: {  	[dreg:$0x2] =	wrdreg s2  }
0xaf: {  	[dreg:$0x3] =	wrdreg s24  }
0xb0: {  	[dreg:$0x4] =	wrdreg $0x9  }
0xb1: {  	_ =	task.clear_ibuf [dreg:s7], $0x5FFFF;
	_ =	strace $0x90000046  }
0xb2: {  	s29 =	simm.s32 $0x9;
	_ =	strace $0x80000048  }
0xb3: {  	_ =	swait.ge [sflag:s29], $0x1  }
0xb4: {  	[sflag:s29] =	ssyncadd.s32 $0xFFFFFFFF  }
0xb5: {  	_ =	strace $0x90000048  }
0xb6: {  	_ =	sfence  }
0xb7: {  	s30 =	sld [smem:$0x0];
	_ =	sdelay $0x2  }
0xb8: {  	s31 =	sshll.u32 s1, $0xD;
	s1 =	sshrl.u32 s1, $0x2  }
0xb9: {  	s3 =	sand.u32 $0x4000, s31;
	s1 =	sadd.s32 s1, s30  }
0xba: {  	s0 =	sor.u32 s3, s0;
	s1 =	sshll.u32 s1, $0x11  }
0xbb: {  	s0 =	sor.u32 s1, s0  }
0xbc: {  	s0 =	sadd.s32 $0x8F2B, s0  }
0xbd: {  	[sflag:s0] =	ssyncadd.remote.s32 $0x1  }
0xbe: {  	_ =	sfence.sel $0xFFFF  }
0xbf: {  	[dreg:$0x0] =	wrdreg $0xFFFFFFFF;
	(pc) =	sbr.abs _section_cstart, $3  }
0xc0: {  	[dreg:$0x1] =	wrdreg $0xFFFFFFFF  }
0xc1: {  	_ =	task.clear_ibuf [dreg:s7], $0x2FFFF;
	_ =	strace $0x9FFFFFFF  }
0xc2: {  	(tm) =	ssettm $0x7FFFFFFF  }
0xc3: {  	_ =	shalt  }
tec
execute0_lowered:
.L_overlay_start_1:
0x0: {  	(tag) =	ssettag $0x1  }
0x1: {  	s1 =	srdreg.scid  }
0x2: {  	s0 =	stileid.u32;
	s7 =	rddreg [dreg:$0x0];
	s3 =	sand.u32 $0x1, s1  }
0x3: {  	s4 =	rddreg [dreg:$0x1];
	s1 =	sor.u32 s3, s0  }
0x4: {  	s2 =	simm.s32 $0x0;
	p0 =	seq.s32 s3, $0x1;
	p1 =	seq.s32 s1, $0x0  }
0x5: {  	s5 =	simm.s32 $0x1;
	s14 =	simm.s32 $0x3800;
	p1 =	por !p1, !p0  }
0x6: {  	s15 =	simm.s32 $0x3A80;
	s16 =	simm.s32 $0x3D00;
	p1 =	por !p1, !p1  }
0x7: {  	s17 =	simm.s32 $0x0;
	[smem:$0x7FF] =	sst s2;
	s5 =	simm.s32 @!p1 $0x0  }
0x8: {  	s10 =	sadd.s32 $0xC00, s4;
	s4 =	simm.s32 $0x1;
	s6 =	ssub.s32 s0, s5  }
0x9: {  	s3 =	ssub.s32 $0x2, s3;
	s1 =	rddreg [dreg:$0x2];
	s5 =	smul.u32 $0x1800, s6  }
0xa: {  	_ =	strace $0x80000047;
	s26 =	sshrl.u32 s3, $0x1;
	s8 =	smul.u32 $0x3, s6  }
0xb: {  	s11 =	ssub.s32 s3, s26;
	s3 =	simm.s32 $0x280;
	s13 =	smul.u32 $0xF00, s6  }
0xc: {  	s3 =	simm.s32 @!p0 $0x0;
	s11 =	smax.u32 s11, $0x1;
	s5 =	sshrl.u32 s5, $0x3  }
0xd: {  	s9 =	sadd.s32 $0x1, s8;
	s8 =	sshll.u32 s8, $0x8;
	s29 =	sadd.s32 s3, s13  }
0xe: {  	s5 =	sadd.s32 s7, s5;
	s12 =	sshll.u32 s9, $0x8;
	s8 =	sadd.s32 $0x200, s8  }
0xf: {  	s9 =	smul.u32 $0x500, s9;
	s30 =	sshrl.u32 s29, $0x3;
	s13 =	sadd.s32 $0xA00, s29  }
0x10: {  	v0 =	vlaneseq.u32;
	s28 =	sand.u32 $0x1FFFFF00, s12;
	s8 =	sand.u32 $0x1FFFFF00, s8;
	s31 =	sshrl.u32 s13, $0x3  }
0x11: {  	v1 =	vmul.u32 $0xFFFFFFFF, v0;
	s12 =	simm.s32 $0x800;
	s13 =	simm.s32 $0x1000;
	s9 =	sadd.s32 s3, s9  }
0x12: {  	s6 =	sadd.s32 s7, s28;
	s7 =	sadd.s32 s7, s8;
	s9 =	sshrl.u32 s9, $0x3  }
0x13: {  	vm0 =	vmmov $0x3ff;
	v1 =	vadd.s32 $0xF, v1;
	s8 =	sadd.s32 s10, s30;
	s9 =	sadd.s32 s10, s9;
	s10 =	sadd.s32 s10, s31  }
.LBB2_1:
0x14: {  	[tilespmem:s2], [sflag:$0x1] =	stream.linear.gather [hbm4b:s5+s2], $0x800, $0x38;
	[tilespmem:$0x3F80] =	vst v63  }
0x15: {  	_ =	swait.ge [sflag:s4], $0x800  }
0x16: {  	[sflag:s4] =	ssyncset.done $0x0  }
0x17: {  	[sflag:s4] =	ssyncadd.s32 $0xFFFFF800  }
0x18: {  	[tilespmem:s12], [sflag:$0x1] =	stream.linear.gather [hbm4b:s6+s2], $0x800, $0x38;
	[tilespmem:$0x3F80] =	vst v63  }
0x19: {  	_ =	swait.ge [sflag:s4], $0x800  }
0x1a: {  	[sflag:s4] =	ssyncset.done $0x0  }
0x1b: {  	[sflag:s4] =	ssyncadd.s32 $0xFFFFF800  }
0x1c: {  	[tilespmem:s13], [sflag:$0x1] =	stream.linear.gather [hbm4b:s7+s2], $0x800, $0x38;
	[tilespmem:$0x3F80] =	vst v63  }
0x1d: {  	_ =	swait.ge [sflag:s4], $0x800  }
0x1e: {  	[sflag:s4] =	ssyncset.done $0x0  }
0x1f: {  	s19 =	simm.s32 $0x0;
	[sflag:s4] =	ssyncadd.s32 $0xFFFFF800  }
0x20: {  	v2 =	vld [tilespmem:s19+$0x0]  }
0x21: {  	v3 =	vld [tilespmem:s19+$0x800]  }
0x22: {  	v6 =	vld [tilespmem:s19+$0x1000];
	_ =	sdelay $0x3  }
0x23: {  	s18 =	simm.s32 $0x10;
	v5 =	vmul.f32 v2, v2;
	v7 =	vmul.f32 v3, v3;
	v8 =	vshrl.u32 v2, $0x10  }
0x24: {  	v4 =	vld [tilespmem:s18+$0x0];
	v9 =	vshrl.u32 v3, $0x10;
	v10 =	vmul.f32 v6, v6;
	v11 =	vshrl.u32 v6, $0x10  }
0x25: {  	v8 =	vand.u32 $0x1, v8;
	v9 =	vand.u32 $0x1, v9;
	v7 =	vadd.f32 v7, v5;
	v5 =	vld [tilespmem:s18+$0x800]  }
0x26: {  	v2 =	vadd.s32 v8, v2;
	v8 =	vadd.s32 v9, v3;
	v9 =	vand.u32 $0x1, v11  }
0x27: {  	v3 =	vld [tilespmem:s18+$0x1000];
	v2 =	vadd.s32 $0x7FFF, v2;
	v6 =	vadd.s32 v9, v6  }
0x28: {  	v8 =	vadd.s32 $0x7FFF, v8;
	v7 =	vadd.f32 v10, v7;
	v2 =	vand.u32 $0xFFFF0000, v2  }
0x29: {  	v6 =	vadd.s32 $0x7FFF, v6;
	v10 =	vshrl.u32 v4, $0x10;
	v11 =	vand.u32 $0xFFFF0000, v8;
	[tilespmem:s19+$0x1800] =	vst v2  }
0x2a: {  	s20 =	simm.s32 $0x20;
	[tilespmem:s19+$0x3000] =	vst v7;
	v7 =	vmul.f32 v4, v4;
	v8 =	vshrl.u32 v5, $0x10;
	v9 =	vmul.f32 v5, v5  }
0x2b: {  	s21 =	simm.s32 $0xC0;
	v6 =	vand.u32 $0xFFFF0000, v6;
	v10 =	vand.u32 $0x1, v10;
	v2 =	vld [tilespmem:s20+$0x0];
	[tilespmem:s19+$0x2000] =	vst v11;
	v8 =	vand.u32 $0x1, v8  }
.LBB2_2:
0x2c: {  	p0 =	sne.s32 s21, $0x1FC0;
	v11 =	vld [tilespmem:s20+$0x800];
	v12 =	vshrl.u32 v3, $0x10;
	v7 =	vadd.f32 v9, v7;
	v9 =	vmul.f32 v3, v3;
	[tilespmem:s19+$0x2800] =	vst v6;
	s19 =	smov.u32 s18;
	s18 =	smov.u32 s20  }
0x2d: {  	v4 =	vadd.s32 v10, v4;
	v5 =	vadd.s32 v8, v5;
	v6 =	vand.u32 $0x1, v12  }
.Ltmp0:
0x2e: {  	v13 =	vadd.s32 $0x7FFF, v4;
	v6 =	vadd.s32 v6, v3;
	v3 =	vld [tilespmem:s18+$0x1000];
	v7 =	vadd.f32 v9, v7;
	(pc) =	sbr.rel @p0 .LBB2_2-.Ltmp0, $4  }
0x2f: {  	v8 =	vand.u32 $0xFFFF0000, v13;
	v9 =	vadd.s32 $0x7FFF, v5;
	v14 =	vadd.s32 $0x7FFF, v6  }
0x30: {  	v12 =	vand.u32 $0xFFFF0000, v9;
	v10 =	vshrl.u32 v2, $0x10;
	v6 =	vand.u32 $0xFFFF0000, v14;
	[tilespmem:s19+$0x3000] =	vst v7;
	v4 =	vmovc v2  }
0x31: {  	s20 =	sshra.s32 s21, $0x2;
	v13 =	vshrl.u32 v11, $0x10;
	v7 =	vmul.f32 v2, v4;
	v9 =	vmul.f32 v11, v11;
	[tilespmem:s19+$0x1800] =	vst v8;
	v5 =	vmovc v11  }
0x32: {  	s21 =	sadd.s32 $0x40, s21;
	v10 =	vand.u32 $0x1, v10;
	v2 =	vld [tilespmem:s20+$0x0];
	v8 =	vand.u32 $0x1, v13;
	[tilespmem:s19+$0x2000] =	vst v12  }
0x33: {  	v11 =	vld [tilespmem:s20+$0x800];
	v12 =	vshrl.u32 v3, $0x10;
	[tilespmem:s19+$0x2800] =	vst v6;
	v51 =	vadd.f32 v9, v7  }
0x34: {  	v52 =	vmul.f32 v3, v3;
	v4 =	vadd.s32 v10, v4;
	v5 =	vadd.s32 v8, v5;
	v53 =	vld [tilespmem:s20+$0x1000]  }
0x35: {  	v54 =	vand.u32 $0x1, v12;
	v4 =	vadd.s32 $0x7FFF, v4;
	v5 =	vadd.s32 $0x7FFF, v5  }
0x36: {  	v3 =	vadd.s32 v54, v3;
	v6 =	vadd.f32 v52, v51;
	v4 =	vand.u32 $0xFFFF0000, v4  }
0x37: {  	v5 =	vand.u32 $0xFFFF0000, v5;
	v3 =	vadd.s32 $0x7FFF, v3;
	v55 =	vmul.f32 v2, v2  }
0x38: {  	v57 =	vshrl.u32 v2, $0x10;
	v3 =	vand.u32 $0xFFFF0000, v3;
	v56 =	vmul.f32 v11, v11  }
0x39: {  	[tilespmem:s18+$0x1800] =	vst v4;
	v58 =	vshrl.u32 v11, $0x10;
	v60 =	vand.u32 $0x1, v57;
	v59 =	vmul.f32 v53, v53  }
0x3a: {  	[tilespmem:s18+$0x3000] =	vst v6;
	v6 =	vand.u32 $0x1, v58;
	v61 =	vshrl.u32 v53, $0x10;
	v2 =	vadd.s32 v60, v2  }
0x3b: {  	[tilespmem:s18+$0x2800] =	vst v3;
	v7 =	vadd.f32 v56, v55;
	v3 =	vadd.s32 v6, v11;
	v2 =	vadd.s32 $0x7FFF, v2  }
0x3c: {  	[tilespmem:s18+$0x2000] =	vst v5;
	v5 =	vand.u32 $0x1, v61;
	v2 =	vand.u32 $0xFFFF0000, v2;
	v3 =	vadd.s32 $0x7FFF, v3  }
0x3d: {  	v5 =	vadd.s32 v5, v53;
	v62 =	vadd.f32 v59, v7;
	v3 =	vand.u32 $0xFFFF0000, v3;
	[tilespmem:s20+$0x1800] =	vst v2  }
0x3e: {  	v63 =	vadd.s32 $0x7FFF, v5;
	[tilespmem:s20+$0x2000] =	vst v3  }
0x3f: {  	v2 =	vand.u32 $0xFFFF0000, v63;
	[tilespmem:s20+$0x3000] =	vst v62  }
0x40: {  	s18 =	simm.s32 $0x0;
	[tilespmem:s20+$0x2800] =	vst v2  }
.LBB2_4:
0x41: {  	s19 =	sshll.u32 s18, $0x4  }
0x42: {  	v2 =	vimm.f32 $0.0e+00;
	v3 =	vimm.f32 $0.0e+00;
	v4 =	vimm.f32 $0.0e+00;
	s21 =	simm.s32 $0x0;
	s20 =	sadd.s32 s3, s19  }
.LBB2_5:
0x43: {  	s22 =	sshll.u32 s21, $0x2  }
0x44: {  	s23 =	sadd.s32 s20, s22  }
0x45: {  	s26 =	sor.u32 $0x3, s23  }
0x46: {  	v15 =	vmov s26  }
0x47: {  	s25 =	simm.s32 $0x2000;
	v5 =	vmov s23  }
0x48: {  	s30 =	simm.s32 $0x1800;
	v20 =	vld [tilespmem:s25+$0x0];
	v5 =	vand.u32 $0xFFFFFFFC, v5  }
0x49: {  	s31 =	simm.s32 $0x2800;
	v22 =	vld [tilespmem:s30+$0x0];
	s24 =	sor.u32 $0x1, s23;
	s23 =	sor.u32 $0x2, s23;
	v13 =	vbroadcast v5, $0x0  }
0x4a: {  	v23 =	vld [tilespmem:s31+$0x0];
	v11 =	vmov s23;
	v5 =	vmov s24  }
0x4b: {  	v11 =	vand.u32 $0xFFFFFFFE, v11;
	v5 =	vand.u32 $0xFFFFFFFD, v5;
	v10 =	vld.idx.msk [tilespmem:v15+s30+$0x0], $0xffff  }
0x4c: {  	v21 =	vbroadcast v11, $0x0;
	v14 =	vbroadcast v5, $0x0;
	v11 =	vld.idx.msk [tilespmem:v15+s25+$0x0], $0xffff  }
0x4d: {  	s28 =	simm.s32 $0x3000;
	v12 =	vld.idx.msk [tilespmem:v15+s31+$0x0], $0xffff  }
0x4e: {  	v27 =	vld.idx.msk [tilespmem:v15+s28+$0x0], $0xffff  }
0x4f: {  	v5 =	vld.idx.msk [tilespmem:v13+s30+$0x0], $0xffff  }
0x50: {  	v6 =	vld.idx.msk [tilespmem:v13+s25+$0x0], $0xffff  }
0x51: {  	v16 =	vld.idx.msk [tilespmem:v13+s28+$0x0], $0xffff  }
0x52: {  	v7 =	vld.idx.msk [tilespmem:v14+s30+$0x0], $0xffff  }
0x53: {  	v8 =	vld.idx.msk [tilespmem:v14+s25+$0x0], $0xffff  }
0x54: {  	v13 =	vld.idx.msk [tilespmem:v13+s31+$0x0], $0xffff  }
0x55: {  	v9 =	vld.idx.msk [tilespmem:v14+s31+$0x0], $0xffff  }
0x56: {  	v19 =	vld.idx.msk [tilespmem:v14+s28+$0x0], $0xffff  }
0x57: {  	v14 =	vld.idx.msk [tilespmem:v21+s30+$0x0], $0xffff;
	v25 =	vmul.f32 v22, v10;
	v26 =	vmul.f32 v20, v11  }
0x58: {  	v15 =	vsub.f32 $0.0e+00, v16;
	v16 =	vld.idx.msk [tilespmem:v21+s25+$0x0], $0xffff;
	v17 =	vmul.f32 v20, v8;
	v24 =	vmul.f32 v22, v7  }
0x59: {  	v18 =	vmul.f32 v20, v6;
	v25 =	vadd.f32 v26, v25;
	v26 =	vmul.f32 v23, v12  }
0x5a: {  	v29 =	vmul.f32 v22, v5;
	v28 =	vmul.f32 v23, v9;
	v24 =	vadd.f32 v17, v24;
	v17 =	vld.idx.msk [tilespmem:v21+s31+$0x0], $0xffff  }
0x5b: {  	v30 =	vmul.f32 v23, v13;
	v25 =	vadd.f32 v26, v25  }
0x5c: {  	v22 =	vmul.f32 v22, v14;
	v24 =	vadd.f32 v28, v24;
	v28 =	vadd.f32 v18, v29  }
0x5d: {  	v26 =	vld [tilespmem:s28+$0x0];
	v25 =	vadd.f32 v25, v25;
	v20 =	vmul.f32 v20, v16;
	v18 =	vsub.f32 $0.0e+00, v19  }
0x5e: {  	v21 =	vld.idx.msk [tilespmem:v21+s28+$0x0], $0xffff;
	v24 =	vadd.f32 v24, v24;
	v28 =	vadd.f32 v30, v28  }
0x5f: {  	s30 =	simm.s32 $0x1810;
	v19 =	vsub.f32 $0.0e+00, v27;
	v20 =	vadd.f32 v20, v22;
	v23 =	vmul.f32 v23, v17  }
0x60: {  	s25 =	simm.s32 $0x2010;
	v29 =	vld [tilespmem:s30+$0x0];
	v24 =	vadd.f32 v24, v18;
	v27 =	vadd.f32 v28, v28  }
0x61: {  	v25 =	vadd.f32 v25, v19;
	v28 =	vld [tilespmem:s25+$0x0];
	v23 =	vadd.f32 v23, v20  }
0x62: {  	s26 =	simm.s32 $0x0;
	v24 =	vsub.f32 v24, v26;
	v27 =	vadd.f32 v27, v15  }
0x63: {  	s31 =	simm.s32 $0x2810;
	v22 =	vsub.f32 v25, v26;
	v25 =	vor.u32 s26, v0;
	v20 =	vsub.f32 $0.0e+00, v21  }
0x64: {  	v21 =	vadd.f32 v23, v23;
	v27 =	vsub.f32 v27, v26;
	(xrf1) =	vsort.dscd.msk.f32 $0xffff, v24, v25;
	v24 =	vld [tilespmem:s31+$0x0]  }
0x65: {  	v30 =	vmul.f32 v29, v10;
	v32 =	vmul.f32 v29, v5;
	(xrf1) =	vsort.dscd.msk.f32 $0xffff, v22, v25  }
0x66: {  	v21 =	vadd.f32 v21, v20;
	v31 =	vmul.f32 v28, v11;
	(xrf1) =	vsort.dscd.msk.f32 $0xffff, v27, v25  }
0x67: {  	v23 =	vmul.f32 v28, v8;
	v27 =	vmul.f32 v29, v7  }
0x68: {  	v22 =	vmul.f32 v28, v6;
	v21 =	vsub.f32 v21, v26;
	v26 =	vadd.f32 v31, v30  }
0x69: {  	s26 =	simm.s32 $0x1820;
	v23 =	vadd.f32 v23, v27;
	v27 =	vmul.f32 v24, v9;
	v30 =	vmul.f32 v24, v12  }
0x6a: {  	v33 =	vld [tilespmem:s26+$0x0];
	s26 =	simm.s32 $0x2830;
	v22 =	vadd.f32 v22, v32;
	v31 =	vmul.f32 v24, v13  }
0x6b: {  	s24 =	simm.s32 $0x3010;
	v58 =	vld [tilespmem:s26+$0x0];
	v23 =	vadd.f32 v27, v23;
	v26 =	vadd.f32 v30, v26  }
0x6c: {  	v28 =	vmul.f32 v28, v16;
	v27 =	vmul.f32 v29, v14;
	v29 =	vld [tilespmem:s24+$0x0];
	v22 =	vadd.f32 v31, v22  }
0x6d: {  	s25 =	simm.s32 $0x2020;
	v23 =	vadd.f32 v23, v23;
	v26 =	vadd.f32 v26, v26  }
0x6e: {  	v24 =	vmul.f32 v24, v17;
	v27 =	vadd.f32 v28, v27;
	v22 =	vadd.f32 v22, v22;
	v28 =	vld [tilespmem:s25+$0x0]  }
0x6f: {  	s25 =	simm.s32 $0x2030;
	v23 =	vadd.f32 v23, v18;
	v26 =	vadd.f32 v26, v19  }
0x70: {  	v38 =	vmul.f32 v33, v10;
	v55 =	vld [tilespmem:s25+$0x0];
	v24 =	vadd.f32 v24, v27;
	v22 =	vadd.f32 v22, v15  }
0x71: {  	v39 =	vmul.f32 v33, v7;
	v57 =	vmul.f32 v58, v13;
	v23 =	vsub.f32 v23, v29  }
0x72: {  	s30 =	simm.s32 $0x10;
	v22 =	vsub.f32 v22, v29;
	v30, v50, _ =	vpop (xrf1);
	(xrf1) =	vsort.dscd.msk.f32 $0xffff, v21, v25;
	v21 =	vadd.f32 v24, v24  }
0x73: {  	v24 =	vsub.f32 v26, v29;
	v25 =	vor.u32 s30, v0;
	v36 =	vmul.f32 v28, v6;
	s30 =	simm.s32 $0x1830;
	v26, v34, _ =	vpop (xrf1)  }
0x74: {  	s31 =	simm.s32 $0x2820;
	v37 =	vmul.f32 v28, v16;
	(xrf1) =	vsort.dscd.msk.f32 $0xffff, v23, v25;
	v40 =	vld [tilespmem:s30+$0x0];
	v31, v35, _ =	vpop (xrf1);
	v21 =	vadd.f32 v21, v20  }
0x75: {  	v27 =	vimm.f32 $-3.000000010e+38;
	v44 =	vmul.f32 v55, v8;
	(xrf1) =	vsort.dscd.msk.f32 $0xffff, v24, v25;
	v24 =	vld [tilespmem:s31+$0x0];
	v23 =	vperm.xlane v31, v1  }
0x76: {  	v31 =	vimm.s32 $0x0;
	v35 =	vperm.xlane v35, v1;
	(xrf1) =	vsort.dscd.msk.f32 $0xffff, v22, v25;
	v22 =	vsub.f32 v21, v29  }
0x77: {  	v21 =	vmul.f32 v28, v8;
	v28 =	vmul.f32 v28, v11;
	vm1 =	vge.f32 v27, v23  }
0x78: {  	v29 =	vmul.f32 v33, v14;
	v23 =	vsel vm1, v27, v23;
	v35 =	vsel vm1, v31, v35  }
0x79: {  	v21 =	vadd.f32 v21, v39;
	v28 =	vadd.f32 v28, v38;
	v63 =	vmul.f32 v40, v7  }
0x7a: {  	(xrf1) =	vsort.dscd.msk.f32 $0xffff, v23, v35;
	v23 =	vmul.f32 v33, v5;
	v51 =	vmul.f32 v24, v13  }
0x7b: {  	v29 =	vadd.f32 v37, v29;
	v52 =	vmul.f32 v24, v9;
	v53 =	vmul.f32 v24, v12  }
0x7c: {  	v24 =	vmul.f32 v24, v17;
	v33 =	vadd.f32 v44, v63;
	v23 =	vadd.f32 v36, v23  }
0x7d: {  	s24 =	simm.s32 $0x3020;
	v41 =	vperm.xlane v50, v1;
	v21 =	vadd.f32 v52, v21;
	v28 =	vadd.f32 v53, v28  }
0x7e: {  	v54 =	vld [tilespmem:s24+$0x0];
	s25 =	simm.s32 $0x2040;
	v48 =	vmul.f32 v55, v11;
	v24 =	vadd.f32 v24, v29;
	v23 =	vadd.f32 v51, v23  }
0x7f: {  	v26 =	vperm.xlane v26, v1;
	v63 =	vld [tilespmem:s25+$0x0];
	v29 =	vadd.f32 v21, v21;
	v28 =	vadd.f32 v28, v28  }
0x80: {  	s31 =	simm.s32 $0x20;
	v62 =	vmul.f32 v40, v14;
	v47 =	vmul.f32 v40, v10;
	v23 =	vadd.f32 v23, v23  }
0x81: {  	v43 =	vor.u32 s31, v0;
	(xrf1) =	vsort.dscd.msk.f32 $0xffff, v22, v25;
	v29 =	vadd.f32 v29, v18;
	v28 =	vadd.f32 v28, v19  }
0x82: {  	v52 =	vmul.f32 v58, v12;
	v53 =	vmul.f32 v58, v9;
	v24 =	vadd.f32 v24, v24  }
0x83: {  	v21 =	vperm.xlane v34, v1;
	v56, v36, _ =	vpop (xrf1);
	v23 =	vadd.f32 v23, v15;
	v29 =	vsub.f32 v29, v54  }
0x84: {  	v24 =	vadd.f32 v24, v20;
	v49 =	vmul.f32 v63, v6;
	v60, v59, _ =	vpop (xrf1);
	v22 =	vsub.f32 v28, v54  }
0x85: {  	v61, v42, _ =	vpop (xrf1);
	v32 =	vperm.xlane v59, v1;
	v23 =	vsub.f32 v23, v54;
	(xrf1) =	vsort.dscd.msk.f32 $0xffff, v29, v43  }
0x86: {  	v29 =	vmul.f32 v55, v6;
	v25, v28, _ =	vpop (xrf1);
	(xrf1) =	vsort.dscd.msk.f32 $0xffff, v22, v43;
	v22 =	vsub.f32 v24, v54  }
0x87: {  	v24 =	vmul.f32 v58, v17;
	v25 =	vperm.xlane v25, v1;
	(xrf1) =	vsort.dscd.msk.f32 $0xffff, v23, v43  }
0x88: {  	v47 =	vadd.f32 v48, v47;
	v28 =	vperm.xlane v28, v1;
	v23 =	vmul.f32 v55, v16;
	v45, v46, _ =	vpop (xrf1)  }
0x89: {  	v54 =	vperm.xlane v30, v1;
	v30 =	vadd.f32 v53, v33;
	vm1 =	vge.f32 v45, v25  }
0x8a: {  	s24 =	simm.s32 $0x3030;
	v23 =	vadd.f32 v23, v62;
	v25 =	vsel vm1, v45, v25;
	v28 =	vsel vm1, v46, v28  }
0x8b: {  	v58 =	vld [tilespmem:s24+$0x0];
	(xrf1) =	vsort.dscd.msk.f32 $0xffff, v25, v28;
	v25 =	vmul.f32 v40, v5;
	v28 =	vadd.f32 v52, v47  }
0x8c: {  	v33 =	vperm.xlane v60, v1;
	v30 =	vadd.f32 v30, v30;
	v23 =	vadd.f32 v24, v23  }
0x8d: {  	s30 =	simm.s32 $0x2840;
	v53 =	vmul.f32 v63, v16;
	v29 =	vadd.f32 v29, v25;
	v28 =	vadd.f32 v28, v28  }
0x8e: {  	s31 =	simm.s32 $0x1840;
	v30 =	vadd.f32 v30, v18;
	v24 =	vperm.xlane v61, v1;
	v46 =	vld [tilespmem:s30+$0x0];
	v23 =	vadd.f32 v23, v23  }
0x8f: {  	v45 =	vperm.xlane v56, v1;
	vm1 =	vge.f32 v27, v54;
	v47 =	vld [tilespmem:s31+$0x0];
	v29 =	vadd.f32 v57, v29  }
0x90: {  	s26 =	simm.s32 $0x30;
	v30 =	vsub.f32 v30, v58;
	v41 =	vsel vm1, v31, v41;
	v23 =	vadd.f32 v23, v20  }
0x91: {  	v35 =	vsel vm1, v27, v54;
	(xrf1) =	vsort.dscd.msk.f32 $0xffff, v22, v43;
	v43 =	vor.u32 s26, v0;
	v29 =	vadd.f32 v29, v29  }
0x92: {  	vm2 =	vge.f32 v27, v45;
	v25 =	vperm.xlane v42, v1;
	v59 =	vadd.f32 v28, v19;
	v40, v28, _ =	vpop (xrf1)  }
0x93: {  	v50 =	vmul.f32 v46, v17;
	v44 =	vsub.f32 v23, v58;
	v61, v62, _ =	vpop (xrf1);
	v29 =	vadd.f32 v29, v15  }
0x94: {  	v52 =	vmul.f32 v47, v14;
	v54 =	vmul.f32 v47, v7;
	v60 =	vsub.f32 v59, v58;
	v23, v22, _ =	vpop (xrf1)  }
0x95: {  	v37 =	vsub.f32 v29, v58;
	v56, v55, _ =	vpop (xrf1);
	(xrf1) =	vsort.dscd.msk.f32 $0xffff, v30, v43;
	v30 =	vperm.xlane v61, v1  }
0x96: {  	v58 =	vmul.f32 v63, v8;
	v61 =	vmul.f32 v63, v11;
	(xrf1) =	vsort.dscd.msk.f32 $0xffff, v60, v43  }
0x97: {  	v63 =	vmul.f32 v46, v12;
	v60 =	vmul.f32 v47, v10;
	(xrf1) =	vsort.dscd.msk.f32 $0xffff, v35, v41  }
0x98: {  	v45 =	vsel vm2, v27, v45;
	v39 =	vperm.xlane v56, v1;
	v57 =	vperm.xlane v55, v1  }
0x99: {  	v55 =	vmul.f32 v46, v9;
	(xrf1) =	vsort.dscd.msk.f32 $0xffff, v37, v43;
	v35 =	vadd.f32 v61, v60;
	v59, v51, _ =	vpop (xrf1)  }
0x9a: {  	v56 =	vadd.f32 v53, v52;
	v54 =	vadd.f32 v58, v54;
	vm1 =	vge.f32 v59, v39  }
0x9b: {  	v35 =	vadd.f32 v63, v35;
	v34 =	vsel vm1, v59, v39;
	v38 =	vsel vm1, v51, v57  }
0x9c: {  	s23 =	simm.s32 $0x3040;
	v57 =	vmul.f32 v47, v5;
	v59 =	vadd.f32 v50, v56;
	(xrf1) =	vsort.dscd.msk.f32 $0xffff, v34, v38  }
0x9d: {  	v58 =	vadd.f32 v55, v54;
	v38 =	vld [tilespmem:s23+$0x0];
	v35 =	vadd.f32 v35, v35;
	(xrf1) =	vsort.dscd.msk.f32 $0xffff, v44, v43  }
0x9e: {  	v22 =	vperm.xlane v22, v1;
	v34 =	vadd.f32 v49, v57;
	v39 =	vadd.f32 v59, v59  }
0x9f: {  	v29 =	vperm.xlane v62, v1;
	v62 =	vmul.f32 v46, v13;
	v37 =	vadd.f32 v58, v58  }
0xa0: {  	v23 =	vperm.xlane v23, v1;
	v60 =	vperm.xlane v36, v1;
	v61 =	vadd.f32 v35, v19  }
0xa1: {  	v36 =	vperm.xlane v40, v1;
	v63 =	vadd.f32 v37, v18;
	v62 =	vadd.f32 v62, v34  }
0xa2: {  	s29 =	simm.s32 $0x2850;
	s28 =	simm.s32 $0x2050;
	vm1 =	vge.f32 v27, v26;
	v42 =	vadd.f32 v39, v20;
	v34, v35, _ =	vpop (xrf1);
	v40 =	vsub.f32 v61, v38  }
0xa3: {  	s25 =	simm.s32 $0x50;
	s24 =	simm.s32 $0x40;
	s26 =	simm.s32 $0x1850;
	v43 =	vsel vm2, v31, v60;
	v44 =	vadd.f32 v62, v62;
	v41 =	vsub.f32 v63, v38;
	v37, v39, _ =	vpop (xrf1)  }
.LBB2_6:
0xa4: {  	v46 =	vld [tilespmem:s28+$0x0];
	p0 =	sne.s32 s25, $0x7F0;
	v47 =	vor.u32 s24, v0;
	v42 =	vsub.f32 v42, v38;
	v48, v49, _ =	vpop (xrf1);
	v50 =	vsel vm1, v31, v21;
	(xrf1) =	vsort.dscd.msk.f32 $0xffff, v45, v43;
	s24 =	smov.u32 s25;
	s25 =	sadd.s32 $0x10, s25  }
0xa5: {  	v51 =	vsel vm1, v27, v26;
	v31 =	vld [tilespmem:s29+$0x0];
	v43 =	vadd.f32 v44, v15;
	v44 =	vperm.xlane v49, v1;
	v27, v45, _ =	vpop (xrf1)  }
0xa6: {  	v21 =	vmovc v25;
	v48 =	vperm.xlane v48, v1;
	v49 =	vld [tilespmem:s26+$0x0];
	vm1 =	vge.f32 v27, v33;
	(xrf1) =	vsort.dscd.msk.f32 $0xffff, v51, v50  }
0xa7: {  	v39 =	vperm.xlane v39, v1;
	v38 =	vsub.f32 v43, v38;
	v25, v26, _ =	vpop (xrf1);
	v32 =	vsel vm1, v45, v32  }
0xa8: {  	v37 =	vperm.xlane v37, v1;
	(xrf1) =	vsort.dscd.msk.f32 $0xffff, v41, v47;
	v41 =	vperm.xlane v25, v1;
	v25 =	vmov v22  }
0xa9: {  	v27 =	vsel vm1, v27, v33;
	v45 =	vperm.xlane v26, v1;
	v22 =	vmovc v44;
	v43 =	vmul.f32 v46, v6  }
0xaa: {  	v26 =	vmov v24;
	v33 =	vmul.f32 v46, v8;
	v44 =	vmul.f32 v31, v17;
	(xrf1) =	vsort.dscd.msk.f32 $0xffff, v40, v47;
	v40, v50, _ =	vpop (xrf1)  }
0xab: {  	v24 =	vmov v23;
	v52 =	vmul.f32 v46, v16;
	v51 =	vmul.f32 v49, v14;
	v53, v54, _ =	vpop (xrf1);
	(xrf1) =	vsort.dscd.msk.f32 $0xffff, v27, v32  }
0xac: {  	v23 =	vmovc v48;
	v46 =	vmul.f32 v46, v11;
	v27 =	vmul.f32 v49, v10;
	vm1 =	vge.f32 v40, v41  }
0xad: {  	v48 =	vmul.f32 v31, v13;
	v55 =	vmul.f32 v49, v7;
	v32 =	vmovc v29;
	(xrf1) =	vsort.dscd.msk.f32 $0xffff, v38, v47  }
0xae: {  	s23 =	sadd.s32 $0x10, s23;
	v29 =	vmovc v39;
	v40 =	vsel vm1, v40, v41;
	v27 =	vadd.f32 v46, v27;
	v38 =	vmul.f32 v31, v12  }
0xaf: {  	v41 =	vsel vm1, v50, v45;
	v39 =	vadd.f32 v33, v55;
	v31 =	vmul.f32 v31, v9;
	v33 =	vmovc v30  }
0xb0: {  	v50 =	vadd.f32 v52, v51;
	v30 =	vmovc v37;
	v27 =	vadd.f32 v38, v27;
	(xrf1) =	vsort.dscd.msk.f32 $0xffff, v40, v41  }
0xb1: {  	v37 =	vmul.f32 v49, v5;
	v46 =	vmovc v36;
	v51 =	vadd.f32 v31, v39;
	v38 =	vld [tilespmem:s23+$0x0];
	(xrf1) =	vsort.dscd.msk.f32 $0xffff, v42, v47  }
0xb2: {  	v52 =	vperm.xlane v28, v1;
	v36 =	vadd.f32 v44, v50;
	v42 =	vadd.f32 v27, v27;
	v45, v40, _ =	vpop (xrf1)  }
.Ltmp1:
0xb3: {  	v28 =	vmovc v35;
	v49 =	vadd.f32 v43, v37;
	v41 =	vadd.f32 v51, v51;
	vm2 =	vge.f32 v45, v46;
	(pc) =	sbr.rel @p0 .LBB2_6-.Ltmp1, $4  }
0xb4: {  	v50 =	vadd.f32 v36, v36;
	v36 =	vperm.xlane v34, v1;
	v44 =	vadd.f32 v42, v19;
	v27, v31, _ =	vpop (xrf1)  }
0xb5: {  	v47 =	vadd.f32 v48, v49;
	v34 =	vmovc v53;
	v41 =	vadd.f32 v41, v18;
	v43 =	vsel vm2, v40, v52  }
0xb6: {  	v42 =	vadd.f32 v50, v20;
	vm1 =	vge.f32 v27, v26;
	v40 =	vsub.f32 v44, v38;
	v37, v39, _ =	vpop (xrf1)  }
0xb7: {  	s28 =	sadd.s32 $0x10, s28;
	s29 =	sadd.s32 $0x10, s29;
	s26 =	sadd.s32 $0x10, s26;
	v35 =	vmovc v54;
	v45 =	vsel vm2, v45, v46;
	v44 =	vadd.f32 v47, v47;
	v41 =	vsub.f32 v41, v38  }
0xb8: {  	(xrf1) =	vsort.dscd.msk.f32 $0xffff, v45, v43;
	_ =	sdelay $0x1  }
0xb9: {  	v5 =	vsel vm1, v31, v21;
	v6 =	vsel vm1, v27, v26  }
0xba: {  	(xrf1) =	vsort.dscd.msk.f32 $0xffff, v6, v5;
	_ =	sdelay $0x4  }
0xbb: {  	v10 =	vor.u32 s24, v0;
	v7 =	vadd.f32 v44, v15;
	v5, v6, _ =	vpop (xrf1)  }
0xbc: {  	v8, v9, _ =	vpop (xrf1);
	(xrf1) =	vsort.dscd.msk.f32 $0xffff, v41, v10  }
0xbd: {  	v7 =	vsub.f32 v7, v38;
	vm1 =	vge.f32 v8, v33;
	v11, v12, _ =	vpop (xrf1);
	(xrf1) =	vsort.dscd.msk.f32 $0xffff, v40, v10  }
0xbe: {  	v9 =	vsel vm1, v9, v32;
	v11 =	vperm.xlane v11, v1;
	v8 =	vsel vm1, v8, v33  }
0xbf: {  	v12 =	vperm.xlane v12, v1;
	v13, v14, _ =	vpop (xrf1);
	(xrf1) =	vsort.dscd.msk.f32 $0xffff, v8, v9  }
0xc0: {  	v48 =	vperm.xlane v28, v1;
	v46, v45, _ =	vpop (xrf1);
	vm1 =	vge.f32 v13, v11;
	(xrf1) =	vsort.dscd.msk.f32 $0xffff, v7, v10  }
0xc1: {  	v44 =	vsub.f32 v42, v38;
	v7 =	vsel vm1, v13, v11;
	v47 =	vsel vm1, v14, v12;
	v49, v50, _ =	vpop (xrf1)  }
0xc2: {  	(xrf1) =	vsort.dscd.msk.f32 $0xffff, v7, v47;
	vm1 =	vge.f32 v49, v36  }
0xc3: {  	(xrf1) =	vsort.dscd.msk.f32 $0xffff, v44, v10;
	v7 =	vsel vm1, v50, v48;
	v51 =	vsel vm1, v49, v36  }
0xc4: {  	v53, v52, _ =	vpop (xrf1);
	(xrf1) =	vsort.dscd.msk.f32 $0xffff, v51, v7;
	_ =	sdelay $0x1  }
0xc5: {  	vm1 =	vge.f32 v53, v24  }
0xc6: {  	v7 =	vsel vm1, v52, v25;
	v54 =	vsel vm1, v53, v24  }
0xc7: {  	(xrf1) =	vsort.dscd.msk.f32 $0xffff, v54, v7;
	_ =	sdelay $0x2  }
0xc8: {  	v7, v8, _ =	vpop (xrf1)  }
0xc9: {  	v56, v55, _ =	vpop (xrf1)  }
0xca: {  	v57, v58, _ =	vpop (xrf1)  }
0xcb: {  	v59, v16, _ =	vpop (xrf1);
	vm1 =	vge.f32 v57, v30  }
0xcc: {  	v14 =	vperm.xlane v59, v1;
	v13 =	vsel vm1, v58, v29;
	v12 =	vsel vm1, v57, v30  }
0xcd: {  	v16 =	vperm.xlane v16, v1;
	v18, v19, _ =	vpop (xrf1);
	(xrf1) =	vsort.dscd.msk.f32 $0xffff, v12, v13  }
0xce: {  	v17 =	vperm.xlane v34, v1;
	vm1 =	vge.f32 v18, v14;
	v20, v60, _ =	vpop (xrf1)  }
0xcf: {  	v61 =	vperm.xlane v35, v1;
	v16 =	vsel vm1, v19, v16;
	v63, v62, _ =	vpop (xrf1)  }
0xd0: {  	v14 =	vsel vm1, v18, v14;
	vm1 =	vge.f32 v63, v17  }
0xd1: {  	(xrf1) =	vsort.dscd.msk.f32 $0xffff, v14, v16;
	v12 =	vsel vm1, v62, v61;
	v13 =	vsel vm1, v63, v17  }
0xd2: {  	(xrf1) =	vsort.dscd.msk.f32 $0xffff, v13, v12  }
0xd3: {  	v14, v16, _ =	vpop (xrf1)  }
0xd4: {  	vm1 =	vge.f32 v14, v23  }
0xd5: {  	v26 =	vsel vm1, v16, v22;
	v27 =	vsel vm1, v14, v23  }
0xd6: {  	(xrf1) =	vsort.dscd.msk.f32 $0xffff, v27, v26;
	_ =	sdelay $0x3  }
0xd7: {  	v28 =	vperm.xlane v37, v1  }
0xd8: {  	v29 =	vperm.xlane v39, v1;
	v31, v30, _ =	vpop (xrf1)  }
0xd9: {  	vm1 =	vge.f32 v31, v28  }
0xda: {  	v13 =	vsel vm1, v30, v29;
	v12 =	vsel vm1, v31, v28  }
0xdb: {  	(xrf1) =	vsort.dscd.msk.f32 $0xffff, v12, v13  }
0xdc: {  	v9 =	vperm.xlane v46, v1;
	v33, v32, _ =	vpop (xrf1)  }
0xdd: {  	v34 =	vperm.xlane v45, v1;
	v35, v14, _ =	vpop (xrf1)  }
0xde: {  	vm1 =	vge.f32 v35, v9  }
0xdf: {  	v12 =	vsel vm1, v14, v34;
	v9 =	vsel vm1, v35, v9  }
0xe0: {  	v5 =	vperm.xlane v5, v1;
	(xrf1) =	vsort.dscd.msk.f32 $0xffff, v9, v12  }
0xe1: {  	v6 =	vperm.xlane v6, v1;
	v37, v36, _ =	vpop (xrf1)  }
0xe2: {  	vm1 =	vge.f32 v37, v5  }
0xe3: {  	v6 =	vsel vm1, v36, v6;
	v5 =	vsel vm1, v37, v5  }
0xe4: {  	(xrf1) =	vsort.dscd.msk.f32 $0xffff, v5, v6;
	_ =	sdelay $0x3  }
0xe5: {  	v5 =	vperm.xlane v7, v1  }
0xe6: {  	v6 =	vperm.xlane v8, v1;
	v7, v38, _ =	vpop (xrf1)  }
0xe7: {  	vm1 =	vge.f32 v7, v5  }
0xe8: {  	v6 =	vsel vm1, v38, v6;
	_ =	sdelay $0x1  }
0xe9: {  	v39 =	vperm.xlane v20, v1;
	v5 =	vsel vm1, v7, v5  }
0xea: {  	(xrf1) =	vsort.dscd.msk.f32 $0xffff, v5, v6;
	v5 =	vperm.xlane v60, v1;
	v6, v7, _ =	vpop (xrf1)  }
0xeb: {  	vm1 =	vge.f32 v6, v39  }
0xec: {  	v5 =	vsel vm1, v7, v5;
	v6 =	vsel vm1, v6, v39  }
0xed: {  	v40 =	vperm.xlane v56, v1;
	(xrf1) =	vsort.dscd.msk.f32 $0xffff, v6, v5  }
0xee: {  	v42, v41, _ =	vpop (xrf1);
	v7 =	vperm.xlane v55, v1  }
0xef: {  	vm1 =	vge.f32 v42, v40  }
0xf0: {  	v6 =	vsel vm1, v42, v40;
	v5 =	vsel vm1, v41, v7  }
0xf1: {  	(xrf1) =	vsort.dscd.msk.f32 $0xffff, v6, v5;
	_ =	sdelay $0x7  }
0xf2: {  	v5, v6, _ =	vpop (xrf1)  }
0xf3: {  	v5 =	vld.idx.msk [tilespmem:v32+s2+$0x0], $0xffff  }
0xf4: {  	v7 =	vld.idx.msk [tilespmem:v32+s12+$0x0], $0xffff;
	v8, v9, _ =	vpop (xrf1)  }
0xf5: {  	v8 =	vld.idx.msk [tilespmem:v32+s13+$0x0], $0xffff  }
0xf6: {  	v43 =	vld.idx.msk [tilespmem:v6+s2+$0x0], $0xffff  }
0xf7: {  	v44 =	vld.idx.msk [tilespmem:v6+s12+$0x0], $0xffff  }
0xf8: {  	v6 =	vld.idx.msk [tilespmem:v6+s13+$0x0], $0xffff;
	v5 =	vnsel vm0, $0x0, v5;
	v45, v46, _ =	vpop (xrf1)  }
0xf9: {  	(xrf2) =	vadd.scan.msk.f32 $0xffff, v5;
	v5 =	vnsel vm0, $0x0, v7;
	v7 =	vld.idx.msk [tilespmem:v9+s2+$0x0], $0xffff  }
0xfa: {  	(xrf2) =	vadd.scan.msk.f32 $0xffff, v5;
	v47 =	vld.idx.msk [tilespmem:v9+s12+$0x0], $0xffff;
	v5 =	vnsel vm0, $0x0, v8  }
0xfb: {  	v9 =	vld.idx.msk [tilespmem:v9+s13+$0x0], $0xffff;
	(xrf2) =	vadd.scan.msk.f32 $0xffff, v5;
	v5 =	vnsel vm0, $0x0, v43  }
0xfc: {  	v48 =	vld.idx.msk [tilespmem:v46+s2+$0x0], $0xffff;
	(xrf2) =	vadd.scan.msk.f32 $0xffff, v5;
	v5 =	vnsel vm0, $0x0, v44  }
0xfd: {  	(xrf2) =	vadd.scan.msk.f32 $0xffff, v5;
	v5 =	vnsel vm0, $0x0, v6;
	v6 =	vld.idx.msk [tilespmem:v46+s12+$0x0], $0xffff  }
0xfe: {  	(xrf2) =	vadd.scan.msk.f32 $0xffff, v5;
	v5 =	vnsel vm0, $0x0, v7;
	v7 =	vld.idx.msk [tilespmem:v46+s13+$0x0], $0xffff  }
0xff: {  	(xrf2) =	vadd.scan.msk.f32 $0xffff, v5;
	v5 =	vnsel vm0, $0x0, v47  }
0x100: {  	(xrf2) =	vadd.scan.msk.f32 $0xffff, v5;
	v5 =	vnsel vm0, $0x0, v9  }
0x101: {  	(xrf2) =	vadd.scan.msk.f32 $0xffff, v5;
	v5 =	vnsel vm0, $0x0, v48  }
0x102: {  	(xrf2) =	vadd.scan.msk.f32 $0xffff, v5;
	v5 =	vnsel vm0, $0x0, v6  }
0x103: {  	v6, _, _ =	vpop (xrf2);
	(xrf2) =	vadd.scan.msk.f32 $0xffff, v5;
	v5 =	vnsel vm0, $0x0, v7;
	_ =	sdelay $0x1  }
0x104: {  	v7, _, _ =	vpop (xrf2);
	(xrf2) =	vadd.scan.msk.f32 $0xffff, v5  }
0x105: {  	v5, _, _ =	vpop (xrf2)  }
0x106: {  	s23 =	sor.u32 $0x1, s22;
	v49, _, _ =	vpop (xrf2)  }
0x107: {  	s30 =	sor.u32 $0x2, s22;
	v51 =	vmov s22;
	v52 =	vmov s23;
	v50, _, _ =	vpop (xrf2)  }
0x108: {  	s31 =	sor.u32 $0x3, s22;
	v53 =	vmov s30;
	vm2 =	veq.s32 v52, v0;
	v7 =	vbroadcast v7, $0xF;
	v12, _, _ =	vpop (xrf2)  }
0x109: {  	vm3 =	veq.s32 v53, v0;
	v55 =	vmov s31;
	v6 =	vbroadcast v6, $0xF;
	v54, _, _ =	vpop (xrf2)  }
0x10a: {  	vm4 =	veq.s32 v55, v0;
	vm1 =	veq.s32 v51, v0;
	v5 =	vbroadcast v5, $0xF;
	v56, _, _ =	vpop (xrf2)  }
0x10b: {  	s21 =	sadd.s32 $0x1, s21;
	v4 =	vsel vm1, v6, v4;
	v3 =	vsel vm1, v7, v3;
	v6 =	vbroadcast v49, $0xF;
	v57, _, _ =	vpop (xrf2)  }
0x10c: {  	p0 =	sne.s32 s21, $0x4;
	v2 =	vsel vm1, v5, v2;
	v5 =	vbroadcast v50, $0xF;
	v58 =	vbroadcast v12, $0xF;
	v7, _, _ =	vpop (xrf2)  }
.Ltmp2:
0x10d: {  	v4 =	vsel vm2, v6, v4;
	v6 =	vbroadcast v54, $0xF;
	v60 =	vbroadcast v56, $0xF;
	v59, _, _ =	vpop (xrf2);
	(pc) =	sbr.rel @p0 .LBB2_5-.Ltmp2, $4  }
0x10e: {  	v3 =	vsel vm2, v5, v3;
	v5 =	vbroadcast v57, $0xF;
	v7 =	vbroadcast v7, $0xF;
	v61, _, _ =	vpop (xrf2)  }
0x10f: {  	v2 =	vsel vm2, v58, v2;
	v62 =	vbroadcast v59, $0xF;
	v63 =	vbroadcast v61, $0xF  }
0x110: {  	v4 =	vsel vm3, v6, v4;
	v3 =	vsel vm3, v60, v3;
	v2 =	vsel vm3, v5, v2  }
0x111: {  	v4 =	vsel vm4, v7, v4;
	v3 =	vsel vm4, v62, v3;
	v2 =	vsel vm4, v63, v2  }
0x112: {  	s18 =	sadd.s32 $0x1, s18  }
0x113: {  	p0 =	sne.s32 s18, $0x28  }
.Ltmp3:
0x114: {  	_ = 	snop;
	(pc) =	sbr.rel @p0 .LBB2_4-.Ltmp3, $4  }
0x115: {  	_ = 	snop  }
0x116: {  	[tilespmem:s19+$0x3800] =	vst v4  }
0x117: {  	[tilespmem:s19+$0x3A80] =	vst v3  }
0x118: {  	[tilespmem:s19+$0x3D00] =	vst v2  }
0x119: {  	[hbm4b:s8+s2] =	stream.linear.scatter [tilespmem:s14], [sflag:$0x1], $0x280, $0x38;
	[tilespmem:$0x3F80] =	vst v63  }
0x11a: {  	_ =	swait.ge [sflag:s4], $0x280  }
0x11b: {  	[sflag:s4] =	ssyncset.done $0x0  }
0x11c: {  	[sflag:s4] =	ssyncadd.s32 $0xFFFFFD80  }
0x11d: {  	[hbm4b:s9+s2] =	stream.linear.scatter [tilespmem:s15], [sflag:$0x1], $0x280, $0x38;
	[tilespmem:$0x3F80] =	vst v63  }
0x11e: {  	s17 =	sadd.s32 $0x1, s17;
	_ =	swait.ge [sflag:s4], $0x280  }
0x11f: {  	p0 =	sne.s32 s17, s11;
	[sflag:s4] =	ssyncset.done $0x0  }
.Ltmp4:
0x120: {  	[sflag:s4] =	ssyncadd.s32 $0xFFFFFD80;
	(pc) =	sbr.rel @p0 .LBB2_1-.Ltmp4, $4  }
0x121: {  	[hbm4b:s10+s2] =	stream.linear.scatter [tilespmem:s16], [sflag:$0x1], $0x280, $0x38;
	[tilespmem:$0x3F80] =	vst v63  }
0x122: {  	_ =	swait.ge [sflag:s4], $0x280  }
0x123: {  	[sflag:s4] =	ssyncset.done $0x0  }
0x124: {  	[sflag:s4] =	ssyncadd.s32 $0xFFFFFD80  }
0x125: {  	_ =	sfence.sel $0x180000  }
0x126: {  	[bflag:$0x0] =	sbarrier.arrive $0xFFFF  }
0x127: {  	p0 =	sne.s32 s0, $0x0;
	_ =	strace $0x90000047  }
0x128: {  	s0 =	sadd.s32 @!p0 $0x100000, s1;
	[bflag:$0x2] =	sbarrier.arrive $0xFFFF  }
0x129: {  	[sflag:s0] =	ssyncadd.tile.s32 @!p0 $0x1;
	_ =	shalt  }
.Lfunc_end2:
_tile_overlayer_lowered:
.L_overlay_start_2:
0x12a: {  	(tag) =	ssettag $0x2  }
0x12b: {  	s0 =	rddreg [dreg:$0x0];
	s2 =	stileid.u32  }
0x12c: {  	s1 =	rddreg [dreg:$0x1];
	p0 =	sne.s32 s2, $0x0  }
0x12d: {  	s3 =	rddreg [dreg:$0x2];
	[bflag:$0x3] =	sbarrier.arrive $0xFFFF;
	s2 =	simm.s32 @!p0 $0x1C01  }
0x12e: {  	[timem:s3], [sflag:s2] =	dma.local @!p0 [hbm:s0], s1  }
0x12f: {  	s0 =	simm.s32 @!p0 $0x1  }
0x130: {  	_ =	swait.ge @!p0 [sflag:s0], s1  }
0x131: {  	s1 =	ssub.s32 @!p0 $0x0, s1;
	[sflag:s0] =	ssyncset.done @!p0 $0x0  }
0x132: {  	[sflag:s0] =	ssyncadd.s32 @!p0 s1  }
0x133: {  	[bflag:$0x3] =	sbarrier.arrive $0xFFFF  }
0x134: {  	_ =	shalt  }

</sc_bundles>
